<compile_context>
chip_gen: v7x
topology: tpu7x:2x2x1
jax: 0.10.2.dev20260603
libtpu: 0.0.44.dev20260713+nightly
codegen_flags: <defaults>
</compile_context>

<pallas_src>
import functools

import jax
import jax.numpy as jnp
from jax import lax
from jax.experimental import pallas as pl
from jax.experimental.pallas import tpu as pltpu
from jax.experimental.pallas import tpu_sc as plsc

N = 10000
E = 320000
D = 128
DH = D // 2
G = 16

NC = 2
NS = 16
NW = NC * NS
EPT = E // NS
CHUNK = 128
NFULL = EPT // CHUNK
TAIL = EPT - NFULL * CHUNK
CROWS = 632
CROWS_LAST = N - 15 * CROWS


def _sc_aggregate(count_deg):
    mesh = plsc.VectorSubcoreMesh(core_axis_name="c", subcore_axis_name="s")
    out_type = [jax.ShapeDtypeStruct((NC, N, DH), jnp.float32)]
    scratch = [
        pltpu.VMEM((CHUNK,), jnp.int32),
        pltpu.VMEM((CHUNK,), jnp.int32),
        pltpu.VMEM((CHUNK, DH), jnp.float32),
        pltpu.VMEM((CROWS, DH), jnp.float32),
        pltpu.VMEM_SHARED((N, DH), jnp.float32),
        pltpu.SemaphoreType.DMA,
    ]
    if count_deg:
        out_type.append(jax.ShapeDtypeStruct((NW, 1, N), jnp.float32))
        scratch.append(pltpu.VMEM((N,), jnp.float32))

    def body(h0_hbm, h1_hbm, src_hbm, dst_hbm, *rest):
        if count_deg:
            out_hbm, cnt_hbm, sidx, didx, rows, zbuf, acc, sem, cnt = rest
        else:
            out_hbm, sidx, didx, rows, zbuf, acc, sem = rest
        cid = lax.axis_index("c")
        sid = lax.axis_index("s")
        wid = cid * NS + sid

        zero16 = jnp.zeros((16,), jnp.float32)
        ones16 = jnp.ones((16,), jnp.float32)

        def zrow(r, carry):
            def zcol(c, carry2):
                zbuf[r, pl.ds(c * 16, 16)] = zero16
                return carry2
            return lax.fori_loop(0, DH // 16, zcol, carry)
        lax.fori_loop(0, CROWS, zrow, 0)

        row0 = sid * CROWS

        @pl.when(sid < NS - 1)
        def _zfull():
            pltpu.sync_copy(zbuf, acc.at[pl.ds(row0, CROWS)])

        @pl.when(sid == NS - 1)
        def _zlast():
            pltpu.sync_copy(zbuf.at[pl.ds(0, CROWS_LAST)],
                            acc.at[pl.ds((NS - 1) * CROWS, CROWS_LAST)])

        if count_deg:
            def zcnt(i, carry):
                cnt[pl.ds(i * 16, 16)] = zero16
                return carry
            lax.fori_loop(0, N // 16, zcnt, 0)

        plsc.subcore_barrier()

        ebase = sid * EPT

        def do_chunk(base, size):
            pltpu.sync_copy(src_hbm.at[pl.ds(base, size)], sidx.at[pl.ds(0, size)])
            pltpu.sync_copy(dst_hbm.at[pl.ds(base, size)], didx.at[pl.ds(0, size)])
            gidx = sidx if size == CHUNK else sidx.at[pl.ds(0, size)]
            widx = didx if size == CHUNK else didx.at[pl.ds(0, size)]
            grows = rows if size == CHUNK else rows.at[pl.ds(0, size)]

            @pl.when(cid == 0)
            def _g0():
                pltpu.async_copy(h0_hbm.at[gidx], grows, sem).wait()

            @pl.when(cid == 1)
            def _g1():
                pltpu.async_copy(h1_hbm.at[gidx], grows, sem).wait()

            pltpu.sync_copy(grows, acc.at[widx], add=True)
            if count_deg:
                for i in range(size // 16):
                    idx16 = didx[pl.ds(i * 16, 16)]
                    plsc.addupdate_scatter(cnt, [idx16], ones16)

        def chunk_body(j, carry):
            do_chunk(ebase + j * CHUNK, CHUNK)
            return carry
        lax.fori_loop(0, NFULL, chunk_body, 0)
        if TAIL:
            do_chunk(ebase + NFULL * CHUNK, TAIL)

        if count_deg:
            pltpu.sync_copy(cnt, cnt_hbm.at[wid, 0])

        plsc.subcore_barrier()

        @pl.when(sid < NS - 1)
        def _cfull():
            pltpu.sync_copy(acc.at[pl.ds(row0, CROWS)],
                            out_hbm.at[cid, pl.ds(row0, CROWS)])

        @pl.when(sid == NS - 1)
        def _clast():
            pltpu.sync_copy(acc.at[pl.ds((NS - 1) * CROWS, CROWS_LAST)],
                            out_hbm.at[cid, pl.ds((NS - 1) * CROWS, CROWS_LAST)])

    return pl.kernel(
        body,
        mesh=mesh,
        out_type=tuple(out_type) if count_deg else out_type[0],
        scratch_types=scratch,
        compiler_params=pltpu.CompilerParams(
            needs_layout_passes=False, use_tc_tiling_on_sc=False),
    )


BN = 1000
NBLK = N // BN


def _tc_layer_first(aggr, cnt_t, h, wl, wr, bias):
    def body(a_ref, cnt_ref, h_ref, wl_ref, wr_ref, b_ref,
             out_ref, out2_ref, deg_ref):
        ones32 = jnp.ones((NW, 1), jnp.float32)
        deg = jnp.dot(cnt_ref[...], ones32,
                      preferred_element_type=jnp.float32)
        deg = jnp.maximum(deg * 0.5, 1.0)
        deg_ref[...] = deg
        aggr_c = jnp.concatenate([a_ref[0], a_ref[1]], axis=1) * (1.0 / deg)
        res = (
            jnp.dot(aggr_c, wl_ref[...], preferred_element_type=jnp.float32)
            + jnp.dot(h_ref[...], wr_ref[...], preferred_element_type=jnp.float32)
            + b_ref[...]
        )
        out_ref[...] = res[:, :DH]
        out2_ref[...] = res[:, DH:]

    return pl.pallas_call(
        body,
        grid=(NBLK,),
        in_specs=[
            pl.BlockSpec((NC, BN, DH), lambda i: (0, i, 0)),
            pl.BlockSpec((BN, NW), lambda i: (i, 0)),
            pl.BlockSpec((BN, D), lambda i: (i, 0)),
            pl.BlockSpec((D, D), lambda i: (0, 0)),
            pl.BlockSpec((D, D), lambda i: (0, 0)),
            pl.BlockSpec((1, D), lambda i: (0, 0)),
        ],
        out_specs=[
            pl.BlockSpec((BN, DH), lambda i: (i, 0)),
            pl.BlockSpec((BN, DH), lambda i: (i, 0)),
            pl.BlockSpec((BN, 1), lambda i: (i, 0)),
        ],
        out_shape=[
            jax.ShapeDtypeStruct((N, DH), jnp.float32),
            jax.ShapeDtypeStruct((N, DH), jnp.float32),
            jax.ShapeDtypeStruct((N, 1), jnp.float32),
        ],
    )(aggr, cnt_t, h, wl, wr, bias)


def _tc_layer(aggr, deg, h0, h1, wl, wr, bias):
    def body(a_ref, deg_ref, h0_ref, h1_ref, wl_ref, wr_ref, b_ref,
             out_ref, out2_ref):
        aggr_c = jnp.concatenate([a_ref[0], a_ref[1]], axis=1) / deg_ref[...]
        h_c = jnp.concatenate([h0_ref[...], h1_ref[...]], axis=1)
        res = (
            jnp.dot(aggr_c, wl_ref[...], preferred_element_type=jnp.float32)
            + jnp.dot(h_c, wr_ref[...], preferred_element_type=jnp.float32)
            + b_ref[...]
        )
        out_ref[...] = res[:, :DH]
        out2_ref[...] = res[:, DH:]

    return pl.pallas_call(
        body,
        grid=(NBLK,),
        in_specs=[
            pl.BlockSpec((NC, BN, DH), lambda i: (0, i, 0)),
            pl.BlockSpec((BN, 1), lambda i: (i, 0)),
            pl.BlockSpec((BN, DH), lambda i: (i, 0)),
            pl.BlockSpec((BN, DH), lambda i: (i, 0)),
            pl.BlockSpec((D, D), lambda i: (0, 0)),
            pl.BlockSpec((D, D), lambda i: (0, 0)),
            pl.BlockSpec((1, D), lambda i: (0, 0)),
        ],
        out_specs=[
            pl.BlockSpec((BN, DH), lambda i: (i, 0)),
            pl.BlockSpec((BN, DH), lambda i: (i, 0)),
        ],
        out_shape=[
            jax.ShapeDtypeStruct((N, DH), jnp.float32),
            jax.ShapeDtypeStruct((N, DH), jnp.float32),
        ],
    )(aggr, deg, h0, h1, wl, wr, bias)


def _tc_pool(hs, batch2, wp, bp):
    T = wp.shape[1]

    def body(h10_ref, h11_ref, h20_ref, h21_ref, h30_ref, h31_ref,
             b_ref, wp_ref, bp_ref, out_ref, acc_ref, cnt_ref):
        j = pl.program_id(0)

        @pl.when(j == 0)
        def _init():
            acc_ref[...] = jnp.zeros_like(acc_ref)
            cnt_ref[...] = jnp.zeros_like(cnt_ref)

        bt = b_ref[...]
        oh = (lax.broadcasted_iota(jnp.int32, (BN, G), 1) == bt).astype(jnp.float32)
        hcat = jnp.concatenate(
            [h10_ref[...], h11_ref[...], h20_ref[...], h21_ref[...],
             h30_ref[...], h31_ref[...]], axis=1)
        acc_ref[...] += lax.dot_general(oh, hcat, (((0,), (0,)), ((), ())),
                                        preferred_element_type=jnp.float32)
        onesb = jnp.ones((BN, 1), jnp.float32)
        cnt_ref[...] += lax.dot_general(oh, onesb, (((0,), (0,)), ((), ())),
                                        preferred_element_type=jnp.float32)

        @pl.when(j == NBLK - 1)
        def _fin():
            pooled = acc_ref[...] / jnp.maximum(cnt_ref[...], 1.0)
            out_ref[...] = (
                jnp.dot(pooled, wp_ref[...], preferred_element_type=jnp.float32)
                + bp_ref[...]
            )

    return pl.pallas_call(
        body,
        grid=(NBLK,),
        in_specs=(
            [pl.BlockSpec((BN, DH), lambda i: (i, 0))] * 6
            + [
                pl.BlockSpec((BN, 1), lambda i: (i, 0)),
                pl.BlockSpec((3 * D, T), lambda i: (0, 0)),
                pl.BlockSpec((1, T), lambda i: (0, 0)),
            ]
        ),
        out_specs=pl.BlockSpec((G, T), lambda i: (0, 0)),
        out_shape=jax.ShapeDtypeStruct((G, T), jnp.float32),
        scratch_shapes=[
            pltpu.VMEM((G, 3 * D), jnp.float32),
            pltpu.VMEM((G, 1), jnp.float32),
        ],
    )(*hs, batch2, wp, bp)


_sc_aggr_first = _sc_aggregate(count_deg=True)
_sc_aggr = _sc_aggregate(count_deg=False)


def kernel(x, edge_index, batch, Wl, Wr, b, Wp, bp):
    src = edge_index[0]
    dst = edge_index[1]
    batch2 = batch.reshape(N, 1)
    x0 = x[:, :DH]
    x1 = x[:, DH:]

    aggr1, cnt = _sc_aggr_first(x0, x1, src, dst)
    cnt_t = cnt.reshape(NW, N).T
    h10, h11, deg = _tc_layer_first(aggr1, cnt_t, x,
                                    Wl[0], Wr[0], b[0].reshape(1, D))
    aggr2 = _sc_aggr(h10, h11, src, dst)
    h20, h21 = _tc_layer(aggr2, deg, h10, h11, Wl[1], Wr[1], b[1].reshape(1, D))
    aggr3 = _sc_aggr(h20, h21, src, dst)
    h30, h31 = _tc_layer(aggr3, deg, h20, h21, Wl[2], Wr[2], b[2].reshape(1, D))

    return _tc_pool((h10, h11, h20, h21, h30, h31), batch2,
                    Wp, bp.reshape(1, bp.shape[0]))

# --- scband reference (transcript-rebuilt; emitter-appended) ---
"""Pipeline reference for scband-toy-dgn-69647189672208 (READ-ONLY COPY).

The authoritative reference and input builder live on the scoring server;
editing this copy changes nothing except your own understanding.
"""

import jax, jax.numpy as jnp
import numpy as np

N = 10000
E = 320000
D = 128
L = 3
G = 16
T = 10


def setup_inputs(seed: int = 0) -> dict:
    key = jax.random.key(seed)
    ks = jax.random.split(key, 8)
    x = jax.random.normal(ks[0], (N, D), dtype=jnp.float32)
    edge_index = jax.random.randint(ks[1], (2, E), 0, N, dtype=jnp.int32)
    batch = jnp.sort(jax.random.randint(ks[2], (N,), 0, G, dtype=jnp.int32))
    # SAGEConv params per layer, stacked (dim_input == dim_embedding == 128 for all layers)
    Wl = jax.random.normal(ks[3], (L, D, D), dtype=jnp.float32) * 0.05  # lin for aggregated neighbors
    Wr = jax.random.normal(ks[4], (L, D, D), dtype=jnp.float32) * 0.05  # lin for root/self
    b = jax.random.normal(ks[5], (L, D), dtype=jnp.float32) * 0.05
    # predictor: graph mean-pool over batch then linear (dim_embedding*num_layers -> dim_target)
    Wp = jax.random.normal(ks[6], (D * L, T), dtype=jnp.float32) * 0.05
    bp = jax.random.normal(ks[7], (T,), dtype=jnp.float32) * 0.05
    return {"x": x, "edge_index": edge_index, "batch": batch, "Wl": Wl, "Wr": Wr, "b": b, "Wp": Wp, "bp": bp}


def reference(x, edge_index, batch, Wl, Wr, b, Wp, bp):
    src = edge_index[0]
    dst = edge_index[1]
    ones_e = jnp.ones((E,), dtype=x.dtype)
    deg = jax.ops.segment_sum(ones_e, dst, num_segments=N)
    deg = jnp.maximum(deg, 1.0)
    h = x
    x_all = []
    for i in range(L):
        msg = h[src]  # gather source node features per edge
        aggr = jax.ops.segment_sum(msg, dst, num_segments=N) / deg[:, None]  # mean aggregation
        h = aggr @ Wl[i] + h @ Wr[i] + b[i]  # SAGEConv: lin_l(aggr) + lin_r(x) + bias
        x_all.append(h)
    hcat = jnp.concatenate(x_all, axis=1)  # [N, D*L]
    cnt = jax.ops.segment_sum(jnp.ones((N,), dtype=x.dtype), batch, num_segments=G)
    cnt = jnp.maximum(cnt, 1.0)
    pooled = jax.ops.segment_sum(hcat, batch, num_segments=G) / cnt[:, None]
    return pooled @ Wp + bp  # [G, T]

if __name__ == "__main__":
    import jax
    _d = setup_inputs()
    print(jax.jit(kernel)(*tuple(_d.values())))

</pallas_src>

<mosaic_0001>
#map = affine_map<(d0, d1) -> (0, 0)>
#map1 = affine_map<(d0, d1) -> (0)>
#map2 = affine_map<(d0, d1) -> (0, 0, 0)>
module attributes {stable_mosaic.version = 14 : i64} {
  func.func @body(%arg0: i32, %arg1: i32, %arg2: memref<10000x64xf32, #tpu.memory_space<hbm>>, %arg3: memref<10000x64xf32, #tpu.memory_space<hbm>>, %arg4: memref<320000xi32, #tpu.memory_space<hbm>>, %arg5: memref<320000xi32, #tpu.memory_space<hbm>>, %arg6: memref<2x10000x64xf32, #tpu.memory_space<hbm>>, %arg7: memref<32x1x10000xf32, #tpu.memory_space<hbm>>, %arg8: memref<128xi32, #tpu.memory_space<vmem>>, %arg9: memref<128xi32, #tpu.memory_space<vmem>>, %arg10: memref<128x64xf32, #tpu.memory_space<vmem>>, %arg11: memref<632x64xf32, #tpu.memory_space<vmem>>, %arg12: memref<10000x64xf32, #tpu.memory_space<vmem_shared>>, %arg13: memref<!tpu.dma_semaphore, #tpu.memory_space<semaphore_mem>>, %arg14: memref<10000xf32, #tpu.memory_space<vmem>>) attributes {dimension_semantics = [#tpu.dimension_semantics<core_parallel>, #tpu.dimension_semantics<subcore_parallel>], iteration_bounds = array<i64: 2, 16>, scalar_prefetch = 0 : i64, scratch_operands = 7 : i64, tpu.core_type = #tpu.core_type<sc_vector_subcore>, window_params = [{transform_indices = #map}, {transform_indices = #map}, {transform_indices = #map1}, {transform_indices = #map1}, {transform_indices = #map2}, {transform_indices = #map2}]} {
    %mul3A = arith.constant 16 : i32
    %mul3A_0 = arith.muli %arg0, %mul3A : i32
    %add3A = arith.addi %mul3A_0, %arg1 : i32
    %broadcast_in_dim3A = arith.constant 0.000000e+00 : f32
    %broadcast_in_dim3A_1 = vector.broadcast %broadcast_in_dim3A : f32 to vector<16xf32>
    %broadcast_in_dim3A_2 = arith.constant 1.000000e+00 : f32
    %broadcast_in_dim3A_3 = vector.broadcast %broadcast_in_dim3A_2 : f32 to vector<16xf32>
    %scan3A = arith.constant 0 : i32
    %scan3A_4 = arith.constant 0 : i32
    %scan3A_5 = arith.constant 632 : i32
    %scan3A_6 = arith.addi %scan3A_4, %scan3A_5 : i32
    %scan3A_7 = arith.constant 1 : i32
    scf.for %scan3A_57 = %scan3A_4 to %scan3A_6 step %scan3A_7  : i32 {
      %scan3A_58 = arith.constant 0 : i32
      %scan3A_59 = arith.constant 4 : i32
      %scan3A_60 = arith.addi %scan3A_58, %scan3A_59 : i32
      %scan3A_61 = arith.constant 1 : i32
      scf.for %scan3A_63 = %scan3A_58 to %scan3A_60 step %scan3A_61  : i32 {
        %mul3A_64 = arith.constant 16 : i32
        %mul3A_65 = arith.muli %scan3A_63, %mul3A_64 : i32
        %swap3A = arith.index_cast %scan3A_57 : i32 to index
        %swap3A_66 = arith.index_cast %mul3A_65 : i32 to index
        %swap3A_67 = tpu.vector_load %arg11[%swap3A, %swap3A_66] {strides = array<i32>} : memref<632x64xf32, #tpu.memory_space<vmem>>, vector<16xf32>,
        tpu.vector_store %arg11[%swap3A, %swap3A_66], %broadcast_in_dim3A_1 {strides = array<i32>} : memref<632x64xf32, #tpu.memory_space<vmem>>, vector<16xf32>,
      }
      %scan3A_62 = arith.constant 4 : i32
    }
    %scan3A_8 = arith.constant 632 : i32
    %mul3A_9 = arith.constant 632 : i32
    %mul3A_10 = arith.muli %arg1, %mul3A_9 : i32
    %lt3A = arith.constant 15 : i32
    %lt3A_11 = arith.cmpi slt, %arg1, %lt3A : i32
    %convert_element_type3A = arith.extui %lt3A_11 : i1 to i32
    %cond3A = arith.constant 0 : i32
    %cond3A_12 = arith.cmpi ne, %convert_element_type3A, %cond3A : i32
    scf.if %cond3A_12 {
      "tpu.region"() ({
        %run_scoped3A_57 = tpu.sem_alloc : memref<!tpu.dma_semaphore, #tpu.memory_space<semaphore_mem>>
        %dma_start3A = arith.constant 0 : i32
        %dma_start3A_58 = tpu.memref_slice %arg12[%mul3A_10, %dma_start3A] : memref<10000x64xf32, #tpu.memory_space<vmem_shared>> -> memref<632x64xf32, #tpu.memory_space<vmem_shared>>
        %dma_start3A_59 = arith.constant 0 : i32
        %dma_start3A_60 = tpu.memref_slice %arg12[%mul3A_10, %dma_start3A_59] : memref<10000x64xf32, #tpu.memory_space<vmem_shared>> -> memref<632x64xf32, #tpu.memory_space<vmem_shared>>
        tpu.enqueue_dma source(%arg11 : memref<632x64xf32, #tpu.memory_space<vmem>>) target(%dma_start3A_60 : memref<632x64xf32, #tpu.memory_space<vmem_shared>>) target_semaphore(%run_scoped3A_57 : memref<!tpu.dma_semaphore, #tpu.memory_space<semaphore_mem>>)
        %dma_wait3A = arith.constant 0 : i32
        %dma_wait3A_61 = tpu.memref_slice %arg12[%mul3A_10, %dma_wait3A] : memref<10000x64xf32, #tpu.memory_space<vmem_shared>> -> memref<632x64xf32, #tpu.memory_space<vmem_shared>>
        %dma_wait3A_62 = arith.constant 0 : i32
        %dma_wait3A_63 = tpu.memref_slice %arg12[%mul3A_10, %dma_wait3A_62] : memref<10000x64xf32, #tpu.memory_space<vmem_shared>> -> memref<632x64xf32, #tpu.memory_space<vmem_shared>>
        tpu.wait_dma2 semaphore(%run_scoped3A_57 : memref<!tpu.dma_semaphore, #tpu.memory_space<semaphore_mem>>) src(%arg11 : memref<632x64xf32, #tpu.memory_space<vmem>>) dst(%dma_wait3A_63 : memref<632x64xf32, #tpu.memory_space<vmem_shared>>)
        tpu.yield
      }) : () -> ()
    } else {
    }
    %eq3A = arith.constant 15 : i32
    %eq3A_13 = arith.cmpi eq, %arg1, %eq3A : i32
    %convert_element_type3A_14 = arith.extui %eq3A_13 : i1 to i32
    %cond3A_15 = arith.constant 0 : i32
    %cond3A_16 = arith.cmpi ne, %convert_element_type3A_14, %cond3A_15 : i32
    scf.if %cond3A_16 {
      "tpu.region"() ({
        %run_scoped3A_57 = tpu.sem_alloc : memref<!tpu.dma_semaphore, #tpu.memory_space<semaphore_mem>>
        %dma_start3A = arith.constant 0 : i32
        %dma_start3A_58 = arith.constant 0 : i32
        %dma_start3A_59 = tpu.memref_slice %arg11[%dma_start3A, %dma_start3A_58] : memref<632x64xf32, #tpu.memory_space<vmem>> -> memref<520x64xf32, #tpu.memory_space<vmem>>
        %dma_start3A_60 = arith.constant 9480 : i32
        %dma_start3A_61 = arith.constant 0 : i32
        %dma_start3A_62 = tpu.memref_slice %arg12[%dma_start3A_60, %dma_start3A_61] : memref<10000x64xf32, #tpu.memory_space<vmem_shared>> -> memref<520x64xf32, #tpu.memory_space<vmem_shared>>
        %dma_start3A_63 = arith.constant 9480 : i32
        %dma_start3A_64 = arith.constant 0 : i32
        %dma_start3A_65 = tpu.memref_slice %arg12[%dma_start3A_63, %dma_start3A_64] : memref<10000x64xf32, #tpu.memory_space<vmem_shared>> -> memref<520x64xf32, #tpu.memory_space<vmem_shared>>
        %dma_start3A_66 = arith.constant 0 : i32
        %dma_start3A_67 = arith.constant 0 : i32
        %dma_start3A_68 = tpu.memref_slice %arg11[%dma_start3A_66, %dma_start3A_67] : memref<632x64xf32, #tpu.memory_space<vmem>> -> memref<520x64xf32, #tpu.memory_space<vmem>>
        tpu.enqueue_dma source(%dma_start3A_68 : memref<520x64xf32, #tpu.memory_space<vmem>>) target(%dma_start3A_65 : memref<520x64xf32, #tpu.memory_space<vmem_shared>>) target_semaphore(%run_scoped3A_57 : memref<!tpu.dma_semaphore, #tpu.memory_space<semaphore_mem>>)
        %dma_wait3A = arith.constant 0 : i32
        %dma_wait3A_69 = arith.constant 0 : i32
        %dma_wait3A_70 = tpu.memref_slice %arg11[%dma_wait3A, %dma_wait3A_69] : memref<632x64xf32, #tpu.memory_space<vmem>> -> memref<520x64xf32, #tpu.memory_space<vmem>>
        %dma_wait3A_71 = arith.constant 9480 : i32
        %dma_wait3A_72 = arith.constant 0 : i32
        %dma_wait3A_73 = tpu.memref_slice %arg12[%dma_wait3A_71, %dma_wait3A_72] : memref<10000x64xf32, #tpu.memory_space<vmem_shared>> -> memref<520x64xf32, #tpu.memory_space<vmem_shared>>
        %dma_wait3A_74 = arith.constant 9480 : i32
        %dma_wait3A_75 = arith.constant 0 : i32
        %dma_wait3A_76 = tpu.memref_slice %arg12[%dma_wait3A_74, %dma_wait3A_75] : memref<10000x64xf32, #tpu.memory_space<vmem_shared>> -> memref<520x64xf32, #tpu.memory_space<vmem_shared>>
        %dma_wait3A_77 = arith.constant 0 : i32
        %dma_wait3A_78 = arith.constant 0 : i32
        %dma_wait3A_79 = tpu.memref_slice %arg11[%dma_wait3A_77, %dma_wait3A_78] : memref<632x64xf32, #tpu.memory_space<vmem>> -> memref<520x64xf32, #tpu.memory_space<vmem>>
        tpu.wait_dma2 semaphore(%run_scoped3A_57 : memref<!tpu.dma_semaphore, #tpu.memory_space<semaphore_mem>>) src(%dma_wait3A_79 : memref<520x64xf32, #tpu.memory_space<vmem>>) dst(%dma_wait3A_76 : memref<520x64xf32, #tpu.memory_space<vmem_shared>>)
        tpu.yield
      }) : () -> ()
    } else {
    }
    %scan3A_17 = arith.constant 0 : i32
    %scan3A_18 = arith.constant 0 : i32
    %scan3A_19 = arith.constant 625 : i32
    %scan3A_20 = arith.addi %scan3A_18, %scan3A_19 : i32
    %scan3A_21 = arith.constant 1 : i32
    scf.for %scan3A_57 = %scan3A_18 to %scan3A_20 step %scan3A_21  : i32 {
      %mul3A_58 = arith.constant 16 : i32
      %mul3A_59 = arith.muli %scan3A_57, %mul3A_58 : i32
      %swap3A = arith.index_cast %mul3A_59 : i32 to index
      %swap3A_60 = tpu.vector_load %arg14[%swap3A] {strides = array<i32>} : memref<10000xf32, #tpu.memory_space<vmem>>, vector<16xf32>,
      tpu.vector_store %arg14[%swap3A], %broadcast_in_dim3A_1 {strides = array<i32>} : memref<10000xf32, #tpu.memory_space<vmem>>, vector<16xf32>,
    }
    %scan3A_22 = arith.constant 625 : i32
    %barrier3A = arith.constant 0 : index
    tpu.barrier barrier_id(%barrier3A)
    %mul3A_23 = arith.constant 20000 : i32
    %mul3A_24 = arith.muli %arg1, %mul3A_23 : i32
    %scan3A_25 = arith.constant 0 : i32
    %scan3A_26 = arith.constant 0 : i32
    %scan3A_27 = arith.constant 156 : i32
    %scan3A_28 = arith.addi %scan3A_26, %scan3A_27 : i32
    %scan3A_29 = arith.constant 1 : i32
    scf.for %scan3A_57 = %scan3A_26 to %scan3A_28 step %scan3A_29  : i32 {
      %mul3A_58 = arith.constant 128 : i32
      %mul3A_59 = arith.muli %scan3A_57, %mul3A_58 : i32
      %add3A_60 = arith.addi %mul3A_24, %mul3A_59 : i32
      "tpu.region"() ({
        %run_scoped3A_87 = tpu.sem_alloc : memref<!tpu.dma_semaphore, #tpu.memory_space<semaphore_mem>>
        %dma_start3A = arith.constant 0 : i32
        %dma_start3A_88 = tpu.memref_slice %arg8[%dma_start3A] : memref<128xi32, #tpu.memory_space<vmem>> -> memref<128xi32, #tpu.memory_space<vmem>>
        %dma_start3A_89 = tpu.memref_slice %arg4[%add3A_60] : memref<320000xi32, #tpu.memory_space<hbm>> -> memref<128xi32, #tpu.memory_space<hbm>>
        %dma_start3A_90 = arith.constant 0 : i32
        %dma_start3A_91 = tpu.memref_slice %arg8[%dma_start3A_90] : memref<128xi32, #tpu.memory_space<vmem>> -> memref<128xi32, #tpu.memory_space<vmem>>
        %dma_start3A_92 = tpu.memref_slice %arg4[%add3A_60] : memref<320000xi32, #tpu.memory_space<hbm>> -> memref<128xi32, #tpu.memory_space<hbm>>
        tpu.enqueue_dma source(%dma_start3A_92 : memref<128xi32, #tpu.memory_space<hbm>>) target(%dma_start3A_91 : memref<128xi32, #tpu.memory_space<vmem>>) target_semaphore(%run_scoped3A_87 : memref<!tpu.dma_semaphore, #tpu.memory_space<semaphore_mem>>)
        %dma_wait3A = arith.constant 0 : i32
        %dma_wait3A_93 = tpu.memref_slice %arg8[%dma_wait3A] : memref<128xi32, #tpu.memory_space<vmem>> -> memref<128xi32, #tpu.memory_space<vmem>>
        %dma_wait3A_94 = tpu.memref_slice %arg4[%add3A_60] : memref<320000xi32, #tpu.memory_space<hbm>> -> memref<128xi32, #tpu.memory_space<hbm>>
        %dma_wait3A_95 = arith.constant 0 : i32
        %dma_wait3A_96 = tpu.memref_slice %arg8[%dma_wait3A_95] : memref<128xi32, #tpu.memory_space<vmem>> -> memref<128xi32, #tpu.memory_space<vmem>>
        %dma_wait3A_97 = tpu.memref_slice %arg4[%add3A_60] : memref<320000xi32, #tpu.memory_space<hbm>> -> memref<128xi32, #tpu.memory_space<hbm>>
        tpu.wait_dma2 semaphore(%run_scoped3A_87 : memref<!tpu.dma_semaphore, #tpu.memory_space<semaphore_mem>>) src(%dma_wait3A_97 : memref<128xi32, #tpu.memory_space<hbm>>) dst(%dma_wait3A_96 : memref<128xi32, #tpu.memory_space<vmem>>)
        tpu.yield
      }) : () -> ()
      "tpu.region"() ({
        %run_scoped3A_87 = tpu.sem_alloc : memref<!tpu.dma_semaphore, #tpu.memory_space<semaphore_mem>>
        %dma_start3A = arith.constant 0 : i32
        %dma_start3A_88 = tpu.memref_slice %arg9[%dma_start3A] : memref<128xi32, #tpu.memory_space<vmem>> -> memref<128xi32, #tpu.memory_space<vmem>>
        %dma_start3A_89 = tpu.memref_slice %arg5[%add3A_60] : memref<320000xi32, #tpu.memory_space<hbm>> -> memref<128xi32, #tpu.memory_space<hbm>>
        %dma_start3A_90 = arith.constant 0 : i32
        %dma_start3A_91 = tpu.memref_slice %arg9[%dma_start3A_90] : memref<128xi32, #tpu.memory_space<vmem>> -> memref<128xi32, #tpu.memory_space<vmem>>
        %dma_start3A_92 = tpu.memref_slice %arg5[%add3A_60] : memref<320000xi32, #tpu.memory_space<hbm>> -> memref<128xi32, #tpu.memory_space<hbm>>
        tpu.enqueue_dma source(%dma_start3A_92 : memref<128xi32, #tpu.memory_space<hbm>>) target(%dma_start3A_91 : memref<128xi32, #tpu.memory_space<vmem>>) target_semaphore(%run_scoped3A_87 : memref<!tpu.dma_semaphore, #tpu.memory_space<semaphore_mem>>)
        %dma_wait3A = arith.constant 0 : i32
        %dma_wait3A_93 = tpu.memref_slice %arg9[%dma_wait3A] : memref<128xi32, #tpu.memory_space<vmem>> -> memref<128xi32, #tpu.memory_space<vmem>>
        %dma_wait3A_94 = tpu.memref_slice %arg5[%add3A_60] : memref<320000xi32, #tpu.memory_space<hbm>> -> memref<128xi32, #tpu.memory_space<hbm>>
        %dma_wait3A_95 = arith.constant 0 : i32
        %dma_wait3A_96 = tpu.memref_slice %arg9[%dma_wait3A_95] : memref<128xi32, #tpu.memory_space<vmem>> -> memref<128xi32, #tpu.memory_space<vmem>>
        %dma_wait3A_97 = tpu.memref_slice %arg5[%add3A_60] : memref<320000xi32, #tpu.memory_space<hbm>> -> memref<128xi32, #tpu.memory_space<hbm>>
        tpu.wait_dma2 semaphore(%run_scoped3A_87 : memref<!tpu.dma_semaphore, #tpu.memory_space<semaphore_mem>>) src(%dma_wait3A_97 : memref<128xi32, #tpu.memory_space<hbm>>) dst(%dma_wait3A_96 : memref<128xi32, #tpu.memory_space<vmem>>)
        tpu.yield
      }) : () -> ()
      %eq3A_61 = arith.constant 0 : i32
      %eq3A_62 = arith.cmpi eq, %arg0, %eq3A_61 : i32
      %convert_element_type3A_63 = arith.extui %eq3A_62 : i1 to i32
      %cond3A_64 = arith.constant 0 : i32
      %cond3A_65 = arith.cmpi ne, %convert_element_type3A_63, %cond3A_64 : i32
      scf.if %cond3A_65 {
        %dma_start3A = arith.constant 0 : i32
        %dma_start3A_87 = arith.constant 0 : i32
        %dma_start3A_88 = tpu.memref_slice %arg2[%dma_start3A, %dma_start3A_87] : memref<10000x64xf32, #tpu.memory_space<hbm>> -> memref<10000x64xf32, #tpu.memory_space<hbm>>
        tpu.enqueue_indirect_dma source(%dma_start3A_88 : memref<10000x64xf32, #tpu.memory_space<hbm>>) target(%arg10 : memref<128x64xf32, #tpu.memory_space<vmem>>) offsets(%arg8 : memref<128xi32, #tpu.memory_space<vmem>>) semaphore(%arg13 : memref<!tpu.dma_semaphore, #tpu.memory_space<semaphore_mem>>)
        %dma_wait3A = arith.constant 0 : i32
        %dma_wait3A_89 = arith.constant 0 : i32
        %dma_wait3A_90 = tpu.memref_slice %arg2[%dma_wait3A, %dma_wait3A_89] : memref<10000x64xf32, #tpu.memory_space<hbm>> -> memref<10000x64xf32, #tpu.memory_space<hbm>>
        tpu.wait_indirect_dma semaphore(%arg13 : memref<!tpu.dma_semaphore, #tpu.memory_space<semaphore_mem>>) src(%dma_wait3A_90 : memref<10000x64xf32, #tpu.memory_space<hbm>>) dst(%arg10 : memref<128x64xf32, #tpu.memory_space<vmem>>)
      } else {
      }
      %eq3A_66 = arith.constant 1 : i32
      %eq3A_67 = arith.cmpi eq, %arg0, %eq3A_66 : i32
      %convert_element_type3A_68 = arith.extui %eq3A_67 : i1 to i32
      %cond3A_69 = arith.constant 0 : i32
      %cond3A_70 = arith.cmpi ne, %convert_element_type3A_68, %cond3A_69 : i32
      scf.if %cond3A_70 {
        %dma_start3A = arith.constant 0 : i32
        %dma_start3A_87 = arith.constant 0 : i32
        %dma_start3A_88 = tpu.memref_slice %arg3[%dma_start3A, %dma_start3A_87] : memref<10000x64xf32, #tpu.memory_space<hbm>> -> memref<10000x64xf32, #tpu.memory_space<hbm>>
        tpu.enqueue_indirect_dma source(%dma_start3A_88 : memref<10000x64xf32, #tpu.memory_space<hbm>>) target(%arg10 : memref<128x64xf32, #tpu.memory_space<vmem>>) offsets(%arg8 : memref<128xi32, #tpu.memory_space<vmem>>) semaphore(%arg13 : memref<!tpu.dma_semaphore, #tpu.memory_space<semaphore_mem>>)
        %dma_wait3A = arith.constant 0 : i32
        %dma_wait3A_89 = arith.constant 0 : i32
        %dma_wait3A_90 = tpu.memref_slice %arg3[%dma_wait3A, %dma_wait3A_89] : memref<10000x64xf32, #tpu.memory_space<hbm>> -> memref<10000x64xf32, #tpu.memory_space<hbm>>
        tpu.wait_indirect_dma semaphore(%arg13 : memref<!tpu.dma_semaphore, #tpu.memory_space<semaphore_mem>>) src(%dma_wait3A_90 : memref<10000x64xf32, #tpu.memory_space<hbm>>) dst(%arg10 : memref<128x64xf32, #tpu.memory_space<vmem>>)
      } else {
      }
      "tpu.region"() ({
        %run_scoped3A_87 = tpu.sem_alloc : memref<!tpu.dma_semaphore, #tpu.memory_space<semaphore_mem>>
        %dma_start3A = arith.constant 0 : i32
        %dma_start3A_88 = arith.constant 0 : i32
        %dma_start3A_89 = tpu.memref_slice %arg12[%dma_start3A, %dma_start3A_88] : memref<10000x64xf32, #tpu.memory_space<vmem_shared>> -> memref<10000x64xf32, #tpu.memory_space<vmem_shared>>
        tpu.enqueue_indirect_dma source(%arg10 : memref<128x64xf32, #tpu.memory_space<vmem>>) target(%dma_start3A_89 : memref<10000x64xf32, #tpu.memory_space<vmem_shared>>) offsets(%arg9 : memref<128xi32, #tpu.memory_space<vmem>>) semaphore(%run_scoped3A_87 : memref<!tpu.dma_semaphore, #tpu.memory_space<semaphore_mem>>) {add = true}
        %dma_wait3A = arith.constant 0 : i32
        %dma_wait3A_90 = arith.constant 0 : i32
        %dma_wait3A_91 = tpu.memref_slice %arg12[%dma_wait3A, %dma_wait3A_90] : memref<10000x64xf32, #tpu.memory_space<vmem_shared>> -> memref<10000x64xf32, #tpu.memory_space<vmem_shared>>
        tpu.wait_indirect_dma semaphore(%run_scoped3A_87 : memref<!tpu.dma_semaphore, #tpu.memory_space<semaphore_mem>>) src(%arg10 : memref<128x64xf32, #tpu.memory_space<vmem>>) dst(%dma_wait3A_91 : memref<10000x64xf32, #tpu.memory_space<vmem_shared>>)
        tpu.yield
      }) : () -> ()
      %get3A_71 = arith.constant 0 : index
      %get3A_72 = tpu.vector_load %arg9[%get3A_71] {strides = array<i32>} : memref<128xi32, #tpu.memory_space<vmem>>, vector<16xi32>,
      tpu.vector_store_idx %arg14[%get3A_72], %broadcast_in_dim3A_3 {add = true} : memref<10000xf32, #tpu.memory_space<vmem>>[vector<16xi32>], vector<16xf32>,
      %get3A_73 = arith.constant 16 : index
      %get3A_74 = tpu.vector_load %arg9[%get3A_73] {strides = array<i32>} : memref<128xi32, #tpu.memory_space<vmem>>, vector<16xi32>,
      tpu.vector_store_idx %arg14[%get3A_74], %broadcast_in_dim3A_3 {add = true} : memref<10000xf32, #tpu.memory_space<vmem>>[vector<16xi32>], vector<16xf32>,
      %get3A_75 = arith.constant 32 : index
      %get3A_76 = tpu.vector_load %arg9[%get3A_75] {strides = array<i32>} : memref<128xi32, #tpu.memory_space<vmem>>, vector<16xi32>,
      tpu.vector_store_idx %arg14[%get3A_76], %broadcast_in_dim3A_3 {add = true} : memref<10000xf32, #tpu.memory_space<vmem>>[vector<16xi32>], vector<16xf32>,
      %get3A_77 = arith.constant 48 : index
      %get3A_78 = tpu.vector_load %arg9[%get3A_77] {strides = array<i32>} : memref<128xi32, #tpu.memory_space<vmem>>, vector<16xi32>,
      tpu.vector_store_idx %arg14[%get3A_78], %broadcast_in_dim3A_3 {add = true} : memref<10000xf32, #tpu.memory_space<vmem>>[vector<16xi32>], vector<16xf32>,
      %get3A_79 = arith.constant 64 : index
      %get3A_80 = tpu.vector_load %arg9[%get3A_79] {strides = array<i32>} : memref<128xi32, #tpu.memory_space<vmem>>, vector<16xi32>,
      tpu.vector_store_idx %arg14[%get3A_80], %broadcast_in_dim3A_3 {add = true} : memref<10000xf32, #tpu.memory_space<vmem>>[vector<16xi32>], vector<16xf32>,
      %get3A_81 = arith.constant 80 : index
      %get3A_82 = tpu.vector_load %arg9[%get3A_81] {strides = array<i32>} : memref<128xi32, #tpu.memory_space<vmem>>, vector<16xi32>,
      tpu.vector_store_idx %arg14[%get3A_82], %broadcast_in_dim3A_3 {add = true} : memref<10000xf32, #tpu.memory_space<vmem>>[vector<16xi32>], vector<16xf32>,
      %get3A_83 = arith.constant 96 : index
      %get3A_84 = tpu.vector_load %arg9[%get3A_83] {strides = array<i32>} : memref<128xi32, #tpu.memory_space<vmem>>, vector<16xi32>,
      tpu.vector_store_idx %arg14[%get3A_84], %broadcast_in_dim3A_3 {add = true} : memref<10000xf32, #tpu.memory_space<vmem>>[vector<16xi32>], vector<16xf32>,
      %get3A_85 = arith.constant 112 : index
      %get3A_86 = tpu.vector_load %arg9[%get3A_85] {strides = array<i32>} : memref<128xi32, #tpu.memory_space<vmem>>, vector<16xi32>,
      tpu.vector_store_idx %arg14[%get3A_86], %broadcast_in_dim3A_3 {add = true} : memref<10000xf32, #tpu.memory_space<vmem>>[vector<16xi32>], vector<16xf32>,
    }
    %scan3A_30 = arith.constant 156 : i32
    %add3A_31 = arith.constant 19968 : i32
    %add3A_32 = arith.addi %mul3A_24, %add3A_31 : i32
    "tpu.region"() ({
      %run_scoped3A_57 = tpu.sem_alloc : memref<!tpu.dma_semaphore, #tpu.memory_space<semaphore_mem>>
      %dma_start3A = arith.constant 0 : i32
      %dma_start3A_58 = tpu.memref_slice %arg8[%dma_start3A] : memref<128xi32, #tpu.memory_space<vmem>> -> memref<32xi32, #tpu.memory_space<vmem>>
      %dma_start3A_59 = tpu.memref_slice %arg4[%add3A_32] : memref<320000xi32, #tpu.memory_space<hbm>> -> memref<32xi32, #tpu.memory_space<hbm>>
      %dma_start3A_60 = arith.constant 0 : i32
      %dma_start3A_61 = tpu.memref_slice %arg8[%dma_start3A_60] : memref<128xi32, #tpu.memory_space<vmem>> -> memref<32xi32, #tpu.memory_space<vmem>>
      %dma_start3A_62 = tpu.memref_slice %arg4[%add3A_32] : memref<320000xi32, #tpu.memory_space<hbm>> -> memref<32xi32, #tpu.memory_space<hbm>>
      tpu.enqueue_dma source(%dma_start3A_62 : memref<32xi32, #tpu.memory_space<hbm>>) target(%dma_start3A_61 : memref<32xi32, #tpu.memory_space<vmem>>) target_semaphore(%run_scoped3A_57 : memref<!tpu.dma_semaphore, #tpu.memory_space<semaphore_mem>>)
      %dma_wait3A = arith.constant 0 : i32
      %dma_wait3A_63 = tpu.memref_slice %arg8[%dma_wait3A] : memref<128xi32, #tpu.memory_space<vmem>> -> memref<32xi32, #tpu.memory_space<vmem>>
      %dma_wait3A_64 = tpu.memref_slice %arg4[%add3A_32] : memref<320000xi32, #tpu.memory_space<hbm>> -> memref<32xi32, #tpu.memory_space<hbm>>
      %dma_wait3A_65 = arith.constant 0 : i32
      %dma_wait3A_66 = tpu.memref_slice %arg8[%dma_wait3A_65] : memref<128xi32, #tpu.memory_space<vmem>> -> memref<32xi32, #tpu.memory_space<vmem>>
      %dma_wait3A_67 = tpu.memref_slice %arg4[%add3A_32] : memref<320000xi32, #tpu.memory_space<hbm>> -> memref<32xi32, #tpu.memory_space<hbm>>
      tpu.wait_dma2 semaphore(%run_scoped3A_57 : memref<!tpu.dma_semaphore, #tpu.memory_space<semaphore_mem>>) src(%dma_wait3A_67 : memref<32xi32, #tpu.memory_space<hbm>>) dst(%dma_wait3A_66 : memref<32xi32, #tpu.memory_space<vmem>>)
      tpu.yield
    }) : () -> ()
    "tpu.region"() ({
      %run_scoped3A_57 = tpu.sem_alloc : memref<!tpu.dma_semaphore, #tpu.memory_space<semaphore_mem>>
      %dma_start3A = arith.constant 0 : i32
      %dma_start3A_58 = tpu.memref_slice %arg9[%dma_start3A] : memref<128xi32, #tpu.memory_space<vmem>> -> memref<32xi32, #tpu.memory_space<vmem>>
      %dma_start3A_59 = tpu.memref_slice %arg5[%add3A_32] : memref<320000xi32, #tpu.memory_space<hbm>> -> memref<32xi32, #tpu.memory_space<hbm>>
      %dma_start3A_60 = arith.constant 0 : i32
      %dma_start3A_61 = tpu.memref_slice %arg9[%dma_start3A_60] : memref<128xi32, #tpu.memory_space<vmem>> -> memref<32xi32, #tpu.memory_space<vmem>>
      %dma_start3A_62 = tpu.memref_slice %arg5[%add3A_32] : memref<320000xi32, #tpu.memory_space<hbm>> -> memref<32xi32, #tpu.memory_space<hbm>>
      tpu.enqueue_dma source(%dma_start3A_62 : memref<32xi32, #tpu.memory_space<hbm>>) target(%dma_start3A_61 : memref<32xi32, #tpu.memory_space<vmem>>) target_semaphore(%run_scoped3A_57 : memref<!tpu.dma_semaphore, #tpu.memory_space<semaphore_mem>>)
      %dma_wait3A = arith.constant 0 : i32
      %dma_wait3A_63 = tpu.memref_slice %arg9[%dma_wait3A] : memref<128xi32, #tpu.memory_space<vmem>> -> memref<32xi32, #tpu.memory_space<vmem>>
      %dma_wait3A_64 = tpu.memref_slice %arg5[%add3A_32] : memref<320000xi32, #tpu.memory_space<hbm>> -> memref<32xi32, #tpu.memory_space<hbm>>
      %dma_wait3A_65 = arith.constant 0 : i32
      %dma_wait3A_66 = tpu.memref_slice %arg9[%dma_wait3A_65] : memref<128xi32, #tpu.memory_space<vmem>> -> memref<32xi32, #tpu.memory_space<vmem>>
      %dma_wait3A_67 = tpu.memref_slice %arg5[%add3A_32] : memref<320000xi32, #tpu.memory_space<hbm>> -> memref<32xi32, #tpu.memory_space<hbm>>
      tpu.wait_dma2 semaphore(%run_scoped3A_57 : memref<!tpu.dma_semaphore, #tpu.memory_space<semaphore_mem>>) src(%dma_wait3A_67 : memref<32xi32, #tpu.memory_space<hbm>>) dst(%dma_wait3A_66 : memref<32xi32, #tpu.memory_space<vmem>>)
      tpu.yield
    }) : () -> ()
    %eq3A_33 = arith.constant 0 : i32
    %eq3A_34 = arith.cmpi eq, %arg0, %eq3A_33 : i32
    %convert_element_type3A_35 = arith.extui %eq3A_34 : i1 to i32
    %cond3A_36 = arith.constant 0 : i32
    %cond3A_37 = arith.cmpi ne, %convert_element_type3A_35, %cond3A_36 : i32
    scf.if %cond3A_37 {
      %dma_start3A = arith.constant 0 : i32
      %dma_start3A_57 = arith.constant 0 : i32
      %dma_start3A_58 = tpu.memref_slice %arg10[%dma_start3A, %dma_start3A_57] : memref<128x64xf32, #tpu.memory_space<vmem>> -> memref<32x64xf32, #tpu.memory_space<vmem>>
      %dma_start3A_59 = arith.constant 0 : i32
      %dma_start3A_60 = tpu.memref_slice %arg8[%dma_start3A_59] : memref<128xi32, #tpu.memory_space<vmem>> -> memref<32xi32, #tpu.memory_space<vmem>>
      %dma_start3A_61 = arith.constant 0 : i32
      %dma_start3A_62 = arith.constant 0 : i32
      %dma_start3A_63 = tpu.memref_slice %arg2[%dma_start3A_61, %dma_start3A_62] : memref<10000x64xf32, #tpu.memory_space<hbm>> -> memref<10000x64xf32, #tpu.memory_space<hbm>>
      tpu.enqueue_indirect_dma source(%dma_start3A_63 : memref<10000x64xf32, #tpu.memory_space<hbm>>) target(%dma_start3A_58 : memref<32x64xf32, #tpu.memory_space<vmem>>) offsets(%dma_start3A_60 : memref<32xi32, #tpu.memory_space<vmem>>) semaphore(%arg13 : memref<!tpu.dma_semaphore, #tpu.memory_space<semaphore_mem>>)
      %dma_wait3A = arith.constant 0 : i32
      %dma_wait3A_64 = arith.constant 0 : i32
      %dma_wait3A_65 = tpu.memref_slice %arg10[%dma_wait3A, %dma_wait3A_64] : memref<128x64xf32, #tpu.memory_space<vmem>> -> memref<32x64xf32, #tpu.memory_space<vmem>>
      %dma_wait3A_66 = arith.constant 0 : i32
      %dma_wait3A_67 = tpu.memref_slice %arg8[%dma_wait3A_66] : memref<128xi32, #tpu.memory_space<vmem>> -> memref<32xi32, #tpu.memory_space<vmem>>
      %dma_wait3A_68 = arith.constant 0 : i32
      %dma_wait3A_69 = arith.constant 0 : i32
      %dma_wait3A_70 = tpu.memref_slice %arg2[%dma_wait3A_68, %dma_wait3A_69] : memref<10000x64xf32, #tpu.memory_space<hbm>> -> memref<10000x64xf32, #tpu.memory_space<hbm>>
      tpu.wait_indirect_dma semaphore(%arg13 : memref<!tpu.dma_semaphore, #tpu.memory_space<semaphore_mem>>) src(%dma_wait3A_70 : memref<10000x64xf32, #tpu.memory_space<hbm>>) dst(%dma_wait3A_65 : memref<32x64xf32, #tpu.memory_space<vmem>>)
    } else {
    }
    %eq3A_38 = arith.constant 1 : i32
    %eq3A_39 = arith.cmpi eq, %arg0, %eq3A_38 : i32
    %convert_element_type3A_40 = arith.extui %eq3A_39 : i1 to i32
    %cond3A_41 = arith.constant 0 : i32
    %cond3A_42 = arith.cmpi ne, %convert_element_type3A_40, %cond3A_41 : i32
    scf.if %cond3A_42 {
      %dma_start3A = arith.constant 0 : i32
      %dma_start3A_57 = arith.constant 0 : i32
      %dma_start3A_58 = tpu.memref_slice %arg10[%dma_start3A, %dma_start3A_57] : memref<128x64xf32, #tpu.memory_space<vmem>> -> memref<32x64xf32, #tpu.memory_space<vmem>>
      %dma_start3A_59 = arith.constant 0 : i32
      %dma_start3A_60 = tpu.memref_slice %arg8[%dma_start3A_59] : memref<128xi32, #tpu.memory_space<vmem>> -> memref<32xi32, #tpu.memory_space<vmem>>
      %dma_start3A_61 = arith.constant 0 : i32
      %dma_start3A_62 = arith.constant 0 : i32
      %dma_start3A_63 = tpu.memref_slice %arg3[%dma_start3A_61, %dma_start3A_62] : memref<10000x64xf32, #tpu.memory_space<hbm>> -> memref<10000x64xf32, #tpu.memory_space<hbm>>
      tpu.enqueue_indirect_dma source(%dma_start3A_63 : memref<10000x64xf32, #tpu.memory_space<hbm>>) target(%dma_start3A_58 : memref<32x64xf32, #tpu.memory_space<vmem>>) offsets(%dma_start3A_60 : memref<32xi32, #tpu.memory_space<vmem>>) semaphore(%arg13 : memref<!tpu.dma_semaphore, #tpu.memory_space<semaphore_mem>>)
      %dma_wait3A = arith.constant 0 : i32
      %dma_wait3A_64 = arith.constant 0 : i32
      %dma_wait3A_65 = tpu.memref_slice %arg10[%dma_wait3A, %dma_wait3A_64] : memref<128x64xf32, #tpu.memory_space<vmem>> -> memref<32x64xf32, #tpu.memory_space<vmem>>
      %dma_wait3A_66 = arith.constant 0 : i32
      %dma_wait3A_67 = tpu.memref_slice %arg8[%dma_wait3A_66] : memref<128xi32, #tpu.memory_space<vmem>> -> memref<32xi32, #tpu.memory_space<vmem>>
      %dma_wait3A_68 = arith.constant 0 : i32
      %dma_wait3A_69 = arith.constant 0 : i32
      %dma_wait3A_70 = tpu.memref_slice %arg3[%dma_wait3A_68, %dma_wait3A_69] : memref<10000x64xf32, #tpu.memory_space<hbm>> -> memref<10000x64xf32, #tpu.memory_space<hbm>>
      tpu.wait_indirect_dma semaphore(%arg13 : memref<!tpu.dma_semaphore, #tpu.memory_space<semaphore_mem>>) src(%dma_wait3A_70 : memref<10000x64xf32, #tpu.memory_space<hbm>>) dst(%dma_wait3A_65 : memref<32x64xf32, #tpu.memory_space<vmem>>)
    } else {
    }
    "tpu.region"() ({
      %run_scoped3A_57 = tpu.sem_alloc : memref<!tpu.dma_semaphore, #tpu.memory_space<semaphore_mem>>
      %dma_start3A = arith.constant 0 : i32
      %dma_start3A_58 = arith.constant 0 : i32
      %dma_start3A_59 = tpu.memref_slice %arg10[%dma_start3A, %dma_start3A_58] : memref<128x64xf32, #tpu.memory_space<vmem>> -> memref<32x64xf32, #tpu.memory_space<vmem>>
      %dma_start3A_60 = arith.constant 0 : i32
      %dma_start3A_61 = tpu.memref_slice %arg9[%dma_start3A_60] : memref<128xi32, #tpu.memory_space<vmem>> -> memref<32xi32, #tpu.memory_space<vmem>>
      %dma_start3A_62 = arith.constant 0 : i32
      %dma_start3A_63 = arith.constant 0 : i32
      %dma_start3A_64 = tpu.memref_slice %arg12[%dma_start3A_62, %dma_start3A_63] : memref<10000x64xf32, #tpu.memory_space<vmem_shared>> -> memref<10000x64xf32, #tpu.memory_space<vmem_shared>>
      tpu.enqueue_indirect_dma source(%dma_start3A_59 : memref<32x64xf32, #tpu.memory_space<vmem>>) target(%dma_start3A_64 : memref<10000x64xf32, #tpu.memory_space<vmem_shared>>) offsets(%dma_start3A_61 : memref<32xi32, #tpu.memory_space<vmem>>) semaphore(%run_scoped3A_57 : memref<!tpu.dma_semaphore, #tpu.memory_space<semaphore_mem>>) {add = true}
      %dma_wait3A = arith.constant 0 : i32
      %dma_wait3A_65 = arith.constant 0 : i32
      %dma_wait3A_66 = tpu.memref_slice %arg10[%dma_wait3A, %dma_wait3A_65] : memref<128x64xf32, #tpu.memory_space<vmem>> -> memref<32x64xf32, #tpu.memory_space<vmem>>
      %dma_wait3A_67 = arith.constant 0 : i32
      %dma_wait3A_68 = tpu.memref_slice %arg9[%dma_wait3A_67] : memref<128xi32, #tpu.memory_space<vmem>> -> memref<32xi32, #tpu.memory_space<vmem>>
      %dma_wait3A_69 = arith.constant 0 : i32
      %dma_wait3A_70 = arith.constant 0 : i32
      %dma_wait3A_71 = tpu.memref_slice %arg12[%dma_wait3A_69, %dma_wait3A_70] : memref<10000x64xf32, #tpu.memory_space<vmem_shared>> -> memref<10000x64xf32, #tpu.memory_space<vmem_shared>>
      tpu.wait_indirect_dma semaphore(%run_scoped3A_57 : memref<!tpu.dma_semaphore, #tpu.memory_space<semaphore_mem>>) src(%dma_wait3A_66 : memref<32x64xf32, #tpu.memory_space<vmem>>) dst(%dma_wait3A_71 : memref<10000x64xf32, #tpu.memory_space<vmem_shared>>)
      tpu.yield
    }) : () -> ()
    %get3A = arith.constant 0 : index
    %get3A_43 = tpu.vector_load %arg9[%get3A] {strides = array<i32>} : memref<128xi32, #tpu.memory_space<vmem>>, vector<16xi32>,
    tpu.vector_store_idx %arg14[%get3A_43], %broadcast_in_dim3A_3 {add = true} : memref<10000xf32, #tpu.memory_space<vmem>>[vector<16xi32>], vector<16xf32>,
    %get3A_44 = arith.constant 16 : index
    %get3A_45 = tpu.vector_load %arg9[%get3A_44] {strides = array<i32>} : memref<128xi32, #tpu.memory_space<vmem>>, vector<16xi32>,
    tpu.vector_store_idx %arg14[%get3A_45], %broadcast_in_dim3A_3 {add = true} : memref<10000xf32, #tpu.memory_space<vmem>>[vector<16xi32>], vector<16xf32>,
    %run_scoped3A = arith.constant 0 : i32
    "tpu.region"() ({
      %run_scoped3A_57 = tpu.sem_alloc : memref<!tpu.dma_semaphore, #tpu.memory_space<semaphore_mem>>
      %dma_start3A = arith.constant 0 : i32
      %dma_start3A_58 = tpu.memref_slice %arg7[%add3A, %run_scoped3A, %dma_start3A] : memref<32x1x10000xf32, #tpu.memory_space<hbm>> -> memref<1x1x10000xf32, #tpu.memory_space<hbm>>
      %dma_start3A_59 = tpu.memref_squeeze %dma_start3A_58 : memref<1x1x10000xf32, #tpu.memory_space<hbm>> -> memref<10000xf32, #tpu.memory_space<hbm>>
      %dma_start3A_60 = arith.constant 0 : i32
      %dma_start3A_61 = tpu.memref_slice %arg7[%add3A, %run_scoped3A, %dma_start3A_60] : memref<32x1x10000xf32, #tpu.memory_space<hbm>> -> memref<1x1x10000xf32, #tpu.memory_space<hbm>>
      %dma_start3A_62 = tpu.memref_squeeze %dma_start3A_61 : memref<1x1x10000xf32, #tpu.memory_space<hbm>> -> memref<10000xf32, #tpu.memory_space<hbm>>
      tpu.enqueue_dma source(%arg14 : memref<10000xf32, #tpu.memory_space<vmem>>) target(%dma_start3A_62 : memref<10000xf32, #tpu.memory_space<hbm>>) target_semaphore(%run_scoped3A_57 : memref<!tpu.dma_semaphore, #tpu.memory_space<semaphore_mem>>)
      %dma_wait3A = arith.constant 0 : i32
      %dma_wait3A_63 = tpu.memref_slice %arg7[%add3A, %run_scoped3A, %dma_wait3A] : memref<32x1x10000xf32, #tpu.memory_space<hbm>> -> memref<1x1x10000xf32, #tpu.memory_space<hbm>>
      %dma_wait3A_64 = tpu.memref_squeeze %dma_wait3A_63 : memref<1x1x10000xf32, #tpu.memory_space<hbm>> -> memref<10000xf32, #tpu.memory_space<hbm>>
      %dma_wait3A_65 = arith.constant 0 : i32
      %dma_wait3A_66 = tpu.memref_slice %arg7[%add3A, %run_scoped3A, %dma_wait3A_65] : memref<32x1x10000xf32, #tpu.memory_space<hbm>> -> memref<1x1x10000xf32, #tpu.memory_space<hbm>>
      %dma_wait3A_67 = tpu.memref_squeeze %dma_wait3A_66 : memref<1x1x10000xf32, #tpu.memory_space<hbm>> -> memref<10000xf32, #tpu.memory_space<hbm>>
      tpu.wait_dma2 semaphore(%run_scoped3A_57 : memref<!tpu.dma_semaphore, #tpu.memory_space<semaphore_mem>>) src(%arg14 : memref<10000xf32, #tpu.memory_space<vmem>>) dst(%dma_wait3A_67 : memref<10000xf32, #tpu.memory_space<hbm>>)
      tpu.yield
    }) : () -> ()
    %barrier3A_46 = arith.constant 0 : index
    tpu.barrier barrier_id(%barrier3A_46)
    %lt3A_47 = arith.constant 15 : i32
    %lt3A_48 = arith.cmpi slt, %arg1, %lt3A_47 : i32
    %convert_element_type3A_49 = arith.extui %lt3A_48 : i1 to i32
    %cond3A_50 = arith.constant 0 : i32
    %cond3A_51 = arith.cmpi ne, %convert_element_type3A_49, %cond3A_50 : i32
    scf.if %cond3A_51 {
      "tpu.region"() ({
        %run_scoped3A_57 = tpu.sem_alloc : memref<!tpu.dma_semaphore, #tpu.memory_space<semaphore_mem>>
        %dma_start3A = arith.constant 0 : i32
        %dma_start3A_58 = tpu.memref_slice %arg6[%arg0, %mul3A_10, %dma_start3A] : memref<2x10000x64xf32, #tpu.memory_space<hbm>> -> memref<1x632x64xf32, #tpu.memory_space<hbm>>
        %dma_start3A_59 = tpu.memref_squeeze %dma_start3A_58 : memref<1x632x64xf32, #tpu.memory_space<hbm>> -> memref<632x64xf32, #tpu.memory_space<hbm>>
        %dma_start3A_60 = arith.constant 0 : i32
        %dma_start3A_61 = tpu.memref_slice %arg12[%mul3A_10, %dma_start3A_60] : memref<10000x64xf32, #tpu.memory_space<vmem_shared>> -> memref<632x64xf32, #tpu.memory_space<vmem_shared>>
        tpu.enqueue_dma source(%dma_start3A_61 : memref<632x64xf32, #tpu.memory_space<vmem_shared>>) target(%dma_start3A_59 : memref<632x64xf32, #tpu.memory_space<hbm>>) target_semaphore(%run_scoped3A_57 : memref<!tpu.dma_semaphore, #tpu.memory_space<semaphore_mem>>)
        %dma_wait3A = arith.constant 0 : i32
        %dma_wait3A_62 = tpu.memref_slice %arg6[%arg0, %mul3A_10, %dma_wait3A] : memref<2x10000x64xf32, #tpu.memory_space<hbm>> -> memref<1x632x64xf32, #tpu.memory_space<hbm>>
        %dma_wait3A_63 = tpu.memref_squeeze %dma_wait3A_62 : memref<1x632x64xf32, #tpu.memory_space<hbm>> -> memref<632x64xf32, #tpu.memory_space<hbm>>
        %dma_wait3A_64 = arith.constant 0 : i32
        %dma_wait3A_65 = tpu.memref_slice %arg12[%mul3A_10, %dma_wait3A_64] : memref<10000x64xf32, #tpu.memory_space<vmem_shared>> -> memref<632x64xf32, #tpu.memory_space<vmem_shared>>
        tpu.wait_dma2 semaphore(%run_scoped3A_57 : memref<!tpu.dma_semaphore, #tpu.memory_space<semaphore_mem>>) src(%dma_wait3A_65 : memref<632x64xf32, #tpu.memory_space<vmem_shared>>) dst(%dma_wait3A_63 : memref<632x64xf32, #tpu.memory_space<hbm>>)
        tpu.yield
      }) : () -> ()
    } else {
    }
    %eq3A_52 = arith.constant 15 : i32
    %eq3A_53 = arith.cmpi eq, %arg1, %eq3A_52 : i32
    %convert_element_type3A_54 = arith.extui %eq3A_53 : i1 to i32
    %cond3A_55 = arith.constant 0 : i32
    %cond3A_56 = arith.cmpi ne, %convert_element_type3A_54, %cond3A_55 : i32
    scf.if %cond3A_56 {
      "tpu.region"() ({
        %run_scoped3A_57 = tpu.sem_alloc : memref<!tpu.dma_semaphore, #tpu.memory_space<semaphore_mem>>
        %dma_start3A = arith.constant 9480 : i32
        %dma_start3A_58 = arith.constant 0 : i32
        %dma_start3A_59 = tpu.memref_slice %arg6[%arg0, %dma_start3A, %dma_start3A_58] : memref<2x10000x64xf32, #tpu.memory_space<hbm>> -> memref<1x520x64xf32, #tpu.memory_space<hbm>>
        %dma_start3A_60 = tpu.memref_squeeze %dma_start3A_59 : memref<1x520x64xf32, #tpu.memory_space<hbm>> -> memref<520x64xf32, #tpu.memory_space<hbm>>
        %dma_start3A_61 = arith.constant 9480 : i32
        %dma_start3A_62 = arith.constant 0 : i32
        %dma_start3A_63 = tpu.memref_slice %arg12[%dma_start3A_61, %dma_start3A_62] : memref<10000x64xf32, #tpu.memory_space<vmem_shared>> -> memref<520x64xf32, #tpu.memory_space<vmem_shared>>
        tpu.enqueue_dma source(%dma_start3A_63 : memref<520x64xf32, #tpu.memory_space<vmem_shared>>) target(%dma_start3A_60 : memref<520x64xf32, #tpu.memory_space<hbm>>) target_semaphore(%run_scoped3A_57 : memref<!tpu.dma_semaphore, #tpu.memory_space<semaphore_mem>>)
        %dma_wait3A = arith.constant 9480 : i32
        %dma_wait3A_64 = arith.constant 0 : i32
        %dma_wait3A_65 = tpu.memref_slice %arg6[%arg0, %dma_wait3A, %dma_wait3A_64] : memref<2x10000x64xf32, #tpu.memory_space<hbm>> -> memref<1x520x64xf32, #tpu.memory_space<hbm>>
        %dma_wait3A_66 = tpu.memref_squeeze %dma_wait3A_65 : memref<1x520x64xf32, #tpu.memory_space<hbm>> -> memref<520x64xf32, #tpu.memory_space<hbm>>
        %dma_wait3A_67 = arith.constant 9480 : i32
        %dma_wait3A_68 = arith.constant 0 : i32
        %dma_wait3A_69 = tpu.memref_slice %arg12[%dma_wait3A_67, %dma_wait3A_68] : memref<10000x64xf32, #tpu.memory_space<vmem_shared>> -> memref<520x64xf32, #tpu.memory_space<vmem_shared>>
        tpu.wait_dma2 semaphore(%run_scoped3A_57 : memref<!tpu.dma_semaphore, #tpu.memory_space<semaphore_mem>>) src(%dma_wait3A_69 : memref<520x64xf32, #tpu.memory_space<vmem_shared>>) dst(%dma_wait3A_66 : memref<520x64xf32, #tpu.memory_space<hbm>>)
        tpu.yield
      }) : () -> ()
    } else {
    }
    return
  }
}

#map = affine_map<(d0, d1) -> (0, 0)>
#map1 = affine_map<(d0, d1) -> (0)>
#map2 = affine_map<(d0, d1) -> (0, 0, 0)>
module attributes {stable_mosaic.version = 14 : i64} {
  func.func @body(%arg0: i32, %arg1: i32, %arg2: memref<10000x64xf32, #tpu.memory_space<hbm>>, %arg3: memref<10000x64xf32, #tpu.memory_space<hbm>>, %arg4: memref<320000xi32, #tpu.memory_space<hbm>>, %arg5: memref<320000xi32, #tpu.memory_space<hbm>>, %arg6: memref<2x10000x64xf32, #tpu.memory_space<hbm>>, %arg7: memref<128xi32, #tpu.memory_space<vmem>>, %arg8: memref<128xi32, #tpu.memory_space<vmem>>, %arg9: memref<128x64xf32, #tpu.memory_space<vmem>>, %arg10: memref<632x64xf32, #tpu.memory_space<vmem>>, %arg11: memref<10000x64xf32, #tpu.memory_space<vmem_shared>>, %arg12: memref<!tpu.dma_semaphore, #tpu.memory_space<semaphore_mem>>) attributes {dimension_semantics = [#tpu.dimension_semantics<core_parallel>, #tpu.dimension_semantics<subcore_parallel>], iteration_bounds = array<i64: 2, 16>, scalar_prefetch = 0 : i64, scratch_operands = 6 : i64, tpu.core_type = #tpu.core_type<sc_vector_subcore>, window_params = [{transform_indices = #map}, {transform_indices = #map}, {transform_indices = #map1}, {transform_indices = #map1}, {transform_indices = #map2}]} {
    %mul3A = arith.constant 16 : i32
    %mul3A_0 = arith.muli %arg0, %mul3A : i32
    %add3A = arith.addi %mul3A_0, %arg1 : i32
    %broadcast_in_dim3A = arith.constant 0.000000e+00 : f32
    %broadcast_in_dim3A_1 = vector.broadcast %broadcast_in_dim3A : f32 to vector<16xf32>
    %broadcast_in_dim3A_2 = arith.constant 1.000000e+00 : f32
    %broadcast_in_dim3A_3 = vector.broadcast %broadcast_in_dim3A_2 : f32 to vector<16xf32>
    %scan3A = arith.constant 0 : i32
    %scan3A_4 = arith.constant 0 : i32
    %scan3A_5 = arith.constant 632 : i32
    %scan3A_6 = arith.addi %scan3A_4, %scan3A_5 : i32
    %scan3A_7 = arith.constant 1 : i32
    scf.for %scan3A_48 = %scan3A_4 to %scan3A_6 step %scan3A_7  : i32 {
      %scan3A_49 = arith.constant 0 : i32
      %scan3A_50 = arith.constant 4 : i32
      %scan3A_51 = arith.addi %scan3A_49, %scan3A_50 : i32
      %scan3A_52 = arith.constant 1 : i32
      scf.for %scan3A_54 = %scan3A_49 to %scan3A_51 step %scan3A_52  : i32 {
        %mul3A_55 = arith.constant 16 : i32
        %mul3A_56 = arith.muli %scan3A_54, %mul3A_55 : i32
        %swap3A = arith.index_cast %scan3A_48 : i32 to index
        %swap3A_57 = arith.index_cast %mul3A_56 : i32 to index
        %swap3A_58 = tpu.vector_load %arg10[%swap3A, %swap3A_57] {strides = array<i32>} : memref<632x64xf32, #tpu.memory_space<vmem>>, vector<16xf32>,
        tpu.vector_store %arg10[%swap3A, %swap3A_57], %broadcast_in_dim3A_1 {strides = array<i32>} : memref<632x64xf32, #tpu.memory_space<vmem>>, vector<16xf32>,
      }
      %scan3A_53 = arith.constant 4 : i32
    }
    %scan3A_8 = arith.constant 632 : i32
    %mul3A_9 = arith.constant 632 : i32
    %mul3A_10 = arith.muli %arg1, %mul3A_9 : i32
    %lt3A = arith.constant 15 : i32
    %lt3A_11 = arith.cmpi slt, %arg1, %lt3A : i32
    %convert_element_type3A = arith.extui %lt3A_11 : i1 to i32
    %cond3A = arith.constant 0 : i32
    %cond3A_12 = arith.cmpi ne, %convert_element_type3A, %cond3A : i32
    scf.if %cond3A_12 {
      "tpu.region"() ({
        %run_scoped3A = tpu.sem_alloc : memref<!tpu.dma_semaphore, #tpu.memory_space<semaphore_mem>>
        %dma_start3A = arith.constant 0 : i32
        %dma_start3A_48 = tpu.memref_slice %arg11[%mul3A_10, %dma_start3A] : memref<10000x64xf32, #tpu.memory_space<vmem_shared>> -> memref<632x64xf32, #tpu.memory_space<vmem_shared>>
        %dma_start3A_49 = arith.constant 0 : i32
        %dma_start3A_50 = tpu.memref_slice %arg11[%mul3A_10, %dma_start3A_49] : memref<10000x64xf32, #tpu.memory_space<vmem_shared>> -> memref<632x64xf32, #tpu.memory_space<vmem_shared>>
        tpu.enqueue_dma source(%arg10 : memref<632x64xf32, #tpu.memory_space<vmem>>) target(%dma_start3A_50 : memref<632x64xf32, #tpu.memory_space<vmem_shared>>) target_semaphore(%run_scoped3A : memref<!tpu.dma_semaphore, #tpu.memory_space<semaphore_mem>>)
        %dma_wait3A = arith.constant 0 : i32
        %dma_wait3A_51 = tpu.memref_slice %arg11[%mul3A_10, %dma_wait3A] : memref<10000x64xf32, #tpu.memory_space<vmem_shared>> -> memref<632x64xf32, #tpu.memory_space<vmem_shared>>
        %dma_wait3A_52 = arith.constant 0 : i32
        %dma_wait3A_53 = tpu.memref_slice %arg11[%mul3A_10, %dma_wait3A_52] : memref<10000x64xf32, #tpu.memory_space<vmem_shared>> -> memref<632x64xf32, #tpu.memory_space<vmem_shared>>
        tpu.wait_dma2 semaphore(%run_scoped3A : memref<!tpu.dma_semaphore, #tpu.memory_space<semaphore_mem>>) src(%arg10 : memref<632x64xf32, #tpu.memory_space<vmem>>) dst(%dma_wait3A_53 : memref<632x64xf32, #tpu.memory_space<vmem_shared>>)
        tpu.yield
      }) : () -> ()
    } else {
    }
    %eq3A = arith.constant 15 : i32
    %eq3A_13 = arith.cmpi eq, %arg1, %eq3A : i32
    %convert_element_type3A_14 = arith.extui %eq3A_13 : i1 to i32
    %cond3A_15 = arith.constant 0 : i32
    %cond3A_16 = arith.cmpi ne, %convert_element_type3A_14, %cond3A_15 : i32
    scf.if %cond3A_16 {
      "tpu.region"() ({
        %run_scoped3A = tpu.sem_alloc : memref<!tpu.dma_semaphore, #tpu.memory_space<semaphore_mem>>
        %dma_start3A = arith.constant 0 : i32
        %dma_start3A_48 = arith.constant 0 : i32
        %dma_start3A_49 = tpu.memref_slice %arg10[%dma_start3A, %dma_start3A_48] : memref<632x64xf32, #tpu.memory_space<vmem>> -> memref<520x64xf32, #tpu.memory_space<vmem>>
        %dma_start3A_50 = arith.constant 9480 : i32
        %dma_start3A_51 = arith.constant 0 : i32
        %dma_start3A_52 = tpu.memref_slice %arg11[%dma_start3A_50, %dma_start3A_51] : memref<10000x64xf32, #tpu.memory_space<vmem_shared>> -> memref<520x64xf32, #tpu.memory_space<vmem_shared>>
        %dma_start3A_53 = arith.constant 9480 : i32
        %dma_start3A_54 = arith.constant 0 : i32
        %dma_start3A_55 = tpu.memref_slice %arg11[%dma_start3A_53, %dma_start3A_54] : memref<10000x64xf32, #tpu.memory_space<vmem_shared>> -> memref<520x64xf32, #tpu.memory_space<vmem_shared>>
        %dma_start3A_56 = arith.constant 0 : i32
        %dma_start3A_57 = arith.constant 0 : i32
        %dma_start3A_58 = tpu.memref_slice %arg10[%dma_start3A_56, %dma_start3A_57] : memref<632x64xf32, #tpu.memory_space<vmem>> -> memref<520x64xf32, #tpu.memory_space<vmem>>
        tpu.enqueue_dma source(%dma_start3A_58 : memref<520x64xf32, #tpu.memory_space<vmem>>) target(%dma_start3A_55 : memref<520x64xf32, #tpu.memory_space<vmem_shared>>) target_semaphore(%run_scoped3A : memref<!tpu.dma_semaphore, #tpu.memory_space<semaphore_mem>>)
        %dma_wait3A = arith.constant 0 : i32
        %dma_wait3A_59 = arith.constant 0 : i32
        %dma_wait3A_60 = tpu.memref_slice %arg10[%dma_wait3A, %dma_wait3A_59] : memref<632x64xf32, #tpu.memory_space<vmem>> -> memref<520x64xf32, #tpu.memory_space<vmem>>
        %dma_wait3A_61 = arith.constant 9480 : i32
        %dma_wait3A_62 = arith.constant 0 : i32
        %dma_wait3A_63 = tpu.memref_slice %arg11[%dma_wait3A_61, %dma_wait3A_62] : memref<10000x64xf32, #tpu.memory_space<vmem_shared>> -> memref<520x64xf32, #tpu.memory_space<vmem_shared>>
        %dma_wait3A_64 = arith.constant 9480 : i32
        %dma_wait3A_65 = arith.constant 0 : i32
        %dma_wait3A_66 = tpu.memref_slice %arg11[%dma_wait3A_64, %dma_wait3A_65] : memref<10000x64xf32, #tpu.memory_space<vmem_shared>> -> memref<520x64xf32, #tpu.memory_space<vmem_shared>>
        %dma_wait3A_67 = arith.constant 0 : i32
        %dma_wait3A_68 = arith.constant 0 : i32
        %dma_wait3A_69 = tpu.memref_slice %arg10[%dma_wait3A_67, %dma_wait3A_68] : memref<632x64xf32, #tpu.memory_space<vmem>> -> memref<520x64xf32, #tpu.memory_space<vmem>>
        tpu.wait_dma2 semaphore(%run_scoped3A : memref<!tpu.dma_semaphore, #tpu.memory_space<semaphore_mem>>) src(%dma_wait3A_69 : memref<520x64xf32, #tpu.memory_space<vmem>>) dst(%dma_wait3A_66 : memref<520x64xf32, #tpu.memory_space<vmem_shared>>)
        tpu.yield
      }) : () -> ()
    } else {
    }
    %barrier3A = arith.constant 0 : index
    tpu.barrier barrier_id(%barrier3A)
    %mul3A_17 = arith.constant 20000 : i32
    %mul3A_18 = arith.muli %arg1, %mul3A_17 : i32
    %scan3A_19 = arith.constant 0 : i32
    %scan3A_20 = arith.constant 0 : i32
    %scan3A_21 = arith.constant 156 : i32
    %scan3A_22 = arith.addi %scan3A_20, %scan3A_21 : i32
    %scan3A_23 = arith.constant 1 : i32
    scf.for %scan3A_48 = %scan3A_20 to %scan3A_22 step %scan3A_23  : i32 {
      %mul3A_49 = arith.constant 128 : i32
      %mul3A_50 = arith.muli %scan3A_48, %mul3A_49 : i32
      %add3A_51 = arith.addi %mul3A_18, %mul3A_50 : i32
      "tpu.region"() ({
        %run_scoped3A = tpu.sem_alloc : memref<!tpu.dma_semaphore, #tpu.memory_space<semaphore_mem>>
        %dma_start3A = arith.constant 0 : i32
        %dma_start3A_62 = tpu.memref_slice %arg7[%dma_start3A] : memref<128xi32, #tpu.memory_space<vmem>> -> memref<128xi32, #tpu.memory_space<vmem>>
        %dma_start3A_63 = tpu.memref_slice %arg4[%add3A_51] : memref<320000xi32, #tpu.memory_space<hbm>> -> memref<128xi32, #tpu.memory_space<hbm>>
        %dma_start3A_64 = arith.constant 0 : i32
        %dma_start3A_65 = tpu.memref_slice %arg7[%dma_start3A_64] : memref<128xi32, #tpu.memory_space<vmem>> -> memref<128xi32, #tpu.memory_space<vmem>>
        %dma_start3A_66 = tpu.memref_slice %arg4[%add3A_51] : memref<320000xi32, #tpu.memory_space<hbm>> -> memref<128xi32, #tpu.memory_space<hbm>>
        tpu.enqueue_dma source(%dma_start3A_66 : memref<128xi32, #tpu.memory_space<hbm>>) target(%dma_start3A_65 : memref<128xi32, #tpu.memory_space<vmem>>) target_semaphore(%run_scoped3A : memref<!tpu.dma_semaphore, #tpu.memory_space<semaphore_mem>>)
        %dma_wait3A = arith.constant 0 : i32
        %dma_wait3A_67 = tpu.memref_slice %arg7[%dma_wait3A] : memref<128xi32, #tpu.memory_space<vmem>> -> memref<128xi32, #tpu.memory_space<vmem>>
        %dma_wait3A_68 = tpu.memref_slice %arg4[%add3A_51] : memref<320000xi32, #tpu.memory_space<hbm>> -> memref<128xi32, #tpu.memory_space<hbm>>
        %dma_wait3A_69 = arith.constant 0 : i32
        %dma_wait3A_70 = tpu.memref_slice %arg7[%dma_wait3A_69] : memref<128xi32, #tpu.memory_space<vmem>> -> memref<128xi32, #tpu.memory_space<vmem>>
        %dma_wait3A_71 = tpu.memref_slice %arg4[%add3A_51] : memref<320000xi32, #tpu.memory_space<hbm>> -> memref<128xi32, #tpu.memory_space<hbm>>
        tpu.wait_dma2 semaphore(%run_scoped3A : memref<!tpu.dma_semaphore, #tpu.memory_space<semaphore_mem>>) src(%dma_wait3A_71 : memref<128xi32, #tpu.memory_space<hbm>>) dst(%dma_wait3A_70 : memref<128xi32, #tpu.memory_space<vmem>>)
        tpu.yield
      }) : () -> ()
      "tpu.region"() ({
        %run_scoped3A = tpu.sem_alloc : memref<!tpu.dma_semaphore, #tpu.memory_space<semaphore_mem>>
        %dma_start3A = arith.constant 0 : i32
        %dma_start3A_62 = tpu.memref_slice %arg8[%dma_start3A] : memref<128xi32, #tpu.memory_space<vmem>> -> memref<128xi32, #tpu.memory_space<vmem>>
        %dma_start3A_63 = tpu.memref_slice %arg5[%add3A_51] : memref<320000xi32, #tpu.memory_space<hbm>> -> memref<128xi32, #tpu.memory_space<hbm>>
        %dma_start3A_64 = arith.constant 0 : i32
        %dma_start3A_65 = tpu.memref_slice %arg8[%dma_start3A_64] : memref<128xi32, #tpu.memory_space<vmem>> -> memref<128xi32, #tpu.memory_space<vmem>>
        %dma_start3A_66 = tpu.memref_slice %arg5[%add3A_51] : memref<320000xi32, #tpu.memory_space<hbm>> -> memref<128xi32, #tpu.memory_space<hbm>>
        tpu.enqueue_dma source(%dma_start3A_66 : memref<128xi32, #tpu.memory_space<hbm>>) target(%dma_start3A_65 : memref<128xi32, #tpu.memory_space<vmem>>) target_semaphore(%run_scoped3A : memref<!tpu.dma_semaphore, #tpu.memory_space<semaphore_mem>>)
        %dma_wait3A = arith.constant 0 : i32
        %dma_wait3A_67 = tpu.memref_slice %arg8[%dma_wait3A] : memref<128xi32, #tpu.memory_space<vmem>> -> memref<128xi32, #tpu.memory_space<vmem>>
        %dma_wait3A_68 = tpu.memref_slice %arg5[%add3A_51] : memref<320000xi32, #tpu.memory_space<hbm>> -> memref<128xi32, #tpu.memory_space<hbm>>
        %dma_wait3A_69 = arith.constant 0 : i32
        %dma_wait3A_70 = tpu.memref_slice %arg8[%dma_wait3A_69] : memref<128xi32, #tpu.memory_space<vmem>> -> memref<128xi32, #tpu.memory_space<vmem>>
        %dma_wait3A_71 = tpu.memref_slice %arg5[%add3A_51] : memref<320000xi32, #tpu.memory_space<hbm>> -> memref<128xi32, #tpu.memory_space<hbm>>
        tpu.wait_dma2 semaphore(%run_scoped3A : memref<!tpu.dma_semaphore, #tpu.memory_space<semaphore_mem>>) src(%dma_wait3A_71 : memref<128xi32, #tpu.memory_space<hbm>>) dst(%dma_wait3A_70 : memref<128xi32, #tpu.memory_space<vmem>>)
        tpu.yield
      }) : () -> ()
      %eq3A_52 = arith.constant 0 : i32
      %eq3A_53 = arith.cmpi eq, %arg0, %eq3A_52 : i32
      %convert_element_type3A_54 = arith.extui %eq3A_53 : i1 to i32
      %cond3A_55 = arith.constant 0 : i32
      %cond3A_56 = arith.cmpi ne, %convert_element_type3A_54, %cond3A_55 : i32
      scf.if %cond3A_56 {
        %dma_start3A = arith.constant 0 : i32
        %dma_start3A_62 = arith.constant 0 : i32
        %dma_start3A_63 = tpu.memref_slice %arg2[%dma_start3A, %dma_start3A_62] : memref<10000x64xf32, #tpu.memory_space<hbm>> -> memref<10000x64xf32, #tpu.memory_space<hbm>>
        tpu.enqueue_indirect_dma source(%dma_start3A_63 : memref<10000x64xf32, #tpu.memory_space<hbm>>) target(%arg9 : memref<128x64xf32, #tpu.memory_space<vmem>>) offsets(%arg7 : memref<128xi32, #tpu.memory_space<vmem>>) semaphore(%arg12 : memref<!tpu.dma_semaphore, #tpu.memory_space<semaphore_mem>>)
        %dma_wait3A = arith.constant 0 : i32
        %dma_wait3A_64 = arith.constant 0 : i32
        %dma_wait3A_65 = tpu.memref_slice %arg2[%dma_wait3A, %dma_wait3A_64] : memref<10000x64xf32, #tpu.memory_space<hbm>> -> memref<10000x64xf32, #tpu.memory_space<hbm>>
        tpu.wait_indirect_dma semaphore(%arg12 : memref<!tpu.dma_semaphore, #tpu.memory_space<semaphore_mem>>) src(%dma_wait3A_65 : memref<10000x64xf32, #tpu.memory_space<hbm>>) dst(%arg9 : memref<128x64xf32, #tpu.memory_space<vmem>>)
      } else {
      }
      %eq3A_57 = arith.constant 1 : i32
      %eq3A_58 = arith.cmpi eq, %arg0, %eq3A_57 : i32
      %convert_element_type3A_59 = arith.extui %eq3A_58 : i1 to i32
      %cond3A_60 = arith.constant 0 : i32
      %cond3A_61 = arith.cmpi ne, %convert_element_type3A_59, %cond3A_60 : i32
      scf.if %cond3A_61 {
        %dma_start3A = arith.constant 0 : i32
        %dma_start3A_62 = arith.constant 0 : i32
        %dma_start3A_63 = tpu.memref_slice %arg3[%dma_start3A, %dma_start3A_62] : memref<10000x64xf32, #tpu.memory_space<hbm>> -> memref<10000x64xf32, #tpu.memory_space<hbm>>
        tpu.enqueue_indirect_dma source(%dma_start3A_63 : memref<10000x64xf32, #tpu.memory_space<hbm>>) target(%arg9 : memref<128x64xf32, #tpu.memory_space<vmem>>) offsets(%arg7 : memref<128xi32, #tpu.memory_space<vmem>>) semaphore(%arg12 : memref<!tpu.dma_semaphore, #tpu.memory_space<semaphore_mem>>)
        %dma_wait3A = arith.constant 0 : i32
        %dma_wait3A_64 = arith.constant 0 : i32
        %dma_wait3A_65 = tpu.memref_slice %arg3[%dma_wait3A, %dma_wait3A_64] : memref<10000x64xf32, #tpu.memory_space<hbm>> -> memref<10000x64xf32, #tpu.memory_space<hbm>>
        tpu.wait_indirect_dma semaphore(%arg12 : memref<!tpu.dma_semaphore, #tpu.memory_space<semaphore_mem>>) src(%dma_wait3A_65 : memref<10000x64xf32, #tpu.memory_space<hbm>>) dst(%arg9 : memref<128x64xf32, #tpu.memory_space<vmem>>)
      } else {
      }
      "tpu.region"() ({
        %run_scoped3A = tpu.sem_alloc : memref<!tpu.dma_semaphore, #tpu.memory_space<semaphore_mem>>
        %dma_start3A = arith.constant 0 : i32
        %dma_start3A_62 = arith.constant 0 : i32
        %dma_start3A_63 = tpu.memref_slice %arg11[%dma_start3A, %dma_start3A_62] : memref<10000x64xf32, #tpu.memory_space<vmem_shared>> -> memref<10000x64xf32, #tpu.memory_space<vmem_shared>>
        tpu.enqueue_indirect_dma source(%arg9 : memref<128x64xf32, #tpu.memory_space<vmem>>) target(%dma_start3A_63 : memref<10000x64xf32, #tpu.memory_space<vmem_shared>>) offsets(%arg8 : memref<128xi32, #tpu.memory_space<vmem>>) semaphore(%run_scoped3A : memref<!tpu.dma_semaphore, #tpu.memory_space<semaphore_mem>>) {add = true}
        %dma_wait3A = arith.constant 0 : i32
        %dma_wait3A_64 = arith.constant 0 : i32
        %dma_wait3A_65 = tpu.memref_slice %arg11[%dma_wait3A, %dma_wait3A_64] : memref<10000x64xf32, #tpu.memory_space<vmem_shared>> -> memref<10000x64xf32, #tpu.memory_space<vmem_shared>>
        tpu.wait_indirect_dma semaphore(%run_scoped3A : memref<!tpu.dma_semaphore, #tpu.memory_space<semaphore_mem>>) src(%arg9 : memref<128x64xf32, #tpu.memory_space<vmem>>) dst(%dma_wait3A_65 : memref<10000x64xf32, #tpu.memory_space<vmem_shared>>)
        tpu.yield
      }) : () -> ()
    }
    %scan3A_24 = arith.constant 156 : i32
    %add3A_25 = arith.constant 19968 : i32
    %add3A_26 = arith.addi %mul3A_18, %add3A_25 : i32
    "tpu.region"() ({
      %run_scoped3A = tpu.sem_alloc : memref<!tpu.dma_semaphore, #tpu.memory_space<semaphore_mem>>
      %dma_start3A = arith.constant 0 : i32
      %dma_start3A_48 = tpu.memref_slice %arg7[%dma_start3A] : memref<128xi32, #tpu.memory_space<vmem>> -> memref<32xi32, #tpu.memory_space<vmem>>
      %dma_start3A_49 = tpu.memref_slice %arg4[%add3A_26] : memref<320000xi32, #tpu.memory_space<hbm>> -> memref<32xi32, #tpu.memory_space<hbm>>
      %dma_start3A_50 = arith.constant 0 : i32
      %dma_start3A_51 = tpu.memref_slice %arg7[%dma_start3A_50] : memref<128xi32, #tpu.memory_space<vmem>> -> memref<32xi32, #tpu.memory_space<vmem>>
      %dma_start3A_52 = tpu.memref_slice %arg4[%add3A_26] : memref<320000xi32, #tpu.memory_space<hbm>> -> memref<32xi32, #tpu.memory_space<hbm>>
      tpu.enqueue_dma source(%dma_start3A_52 : memref<32xi32, #tpu.memory_space<hbm>>) target(%dma_start3A_51 : memref<32xi32, #tpu.memory_space<vmem>>) target_semaphore(%run_scoped3A : memref<!tpu.dma_semaphore, #tpu.memory_space<semaphore_mem>>)
      %dma_wait3A = arith.constant 0 : i32
      %dma_wait3A_53 = tpu.memref_slice %arg7[%dma_wait3A] : memref<128xi32, #tpu.memory_space<vmem>> -> memref<32xi32, #tpu.memory_space<vmem>>
      %dma_wait3A_54 = tpu.memref_slice %arg4[%add3A_26] : memref<320000xi32, #tpu.memory_space<hbm>> -> memref<32xi32, #tpu.memory_space<hbm>>
      %dma_wait3A_55 = arith.constant 0 : i32
      %dma_wait3A_56 = tpu.memref_slice %arg7[%dma_wait3A_55] : memref<128xi32, #tpu.memory_space<vmem>> -> memref<32xi32, #tpu.memory_space<vmem>>
      %dma_wait3A_57 = tpu.memref_slice %arg4[%add3A_26] : memref<320000xi32, #tpu.memory_space<hbm>> -> memref<32xi32, #tpu.memory_space<hbm>>
      tpu.wait_dma2 semaphore(%run_scoped3A : memref<!tpu.dma_semaphore, #tpu.memory_space<semaphore_mem>>) src(%dma_wait3A_57 : memref<32xi32, #tpu.memory_space<hbm>>) dst(%dma_wait3A_56 : memref<32xi32, #tpu.memory_space<vmem>>)
      tpu.yield
    }) : () -> ()
    "tpu.region"() ({
      %run_scoped3A = tpu.sem_alloc : memref<!tpu.dma_semaphore, #tpu.memory_space<semaphore_mem>>
      %dma_start3A = arith.constant 0 : i32
      %dma_start3A_48 = tpu.memref_slice %arg8[%dma_start3A] : memref<128xi32, #tpu.memory_space<vmem>> -> memref<32xi32, #tpu.memory_space<vmem>>
      %dma_start3A_49 = tpu.memref_slice %arg5[%add3A_26] : memref<320000xi32, #tpu.memory_space<hbm>> -> memref<32xi32, #tpu.memory_space<hbm>>
      %dma_start3A_50 = arith.constant 0 : i32
      %dma_start3A_51 = tpu.memref_slice %arg8[%dma_start3A_50] : memref<128xi32, #tpu.memory_space<vmem>> -> memref<32xi32, #tpu.memory_space<vmem>>
      %dma_start3A_52 = tpu.memref_slice %arg5[%add3A_26] : memref<320000xi32, #tpu.memory_space<hbm>> -> memref<32xi32, #tpu.memory_space<hbm>>
      tpu.enqueue_dma source(%dma_start3A_52 : memref<32xi32, #tpu.memory_space<hbm>>) target(%dma_start3A_51 : memref<32xi32, #tpu.memory_space<vmem>>) target_semaphore(%run_scoped3A : memref<!tpu.dma_semaphore, #tpu.memory_space<semaphore_mem>>)
      %dma_wait3A = arith.constant 0 : i32
      %dma_wait3A_53 = tpu.memref_slice %arg8[%dma_wait3A] : memref<128xi32, #tpu.memory_space<vmem>> -> memref<32xi32, #tpu.memory_space<vmem>>
      %dma_wait3A_54 = tpu.memref_slice %arg5[%add3A_26] : memref<320000xi32, #tpu.memory_space<hbm>> -> memref<32xi32, #tpu.memory_space<hbm>>
      %dma_wait3A_55 = arith.constant 0 : i32
      %dma_wait3A_56 = tpu.memref_slice %arg8[%dma_wait3A_55] : memref<128xi32, #tpu.memory_space<vmem>> -> memref<32xi32, #tpu.memory_space<vmem>>
      %dma_wait3A_57 = tpu.memref_slice %arg5[%add3A_26] : memref<320000xi32, #tpu.memory_space<hbm>> -> memref<32xi32, #tpu.memory_space<hbm>>
      tpu.wait_dma2 semaphore(%run_scoped3A : memref<!tpu.dma_semaphore, #tpu.memory_space<semaphore_mem>>) src(%dma_wait3A_57 : memref<32xi32, #tpu.memory_space<hbm>>) dst(%dma_wait3A_56 : memref<32xi32, #tpu.memory_space<vmem>>)
      tpu.yield
    }) : () -> ()
    %eq3A_27 = arith.constant 0 : i32
    %eq3A_28 = arith.cmpi eq, %arg0, %eq3A_27 : i32
    %convert_element_type3A_29 = arith.extui %eq3A_28 : i1 to i32
    %cond3A_30 = arith.constant 0 : i32
    %cond3A_31 = arith.cmpi ne, %convert_element_type3A_29, %cond3A_30 : i32
    scf.if %cond3A_31 {
      %dma_start3A = arith.constant 0 : i32
      %dma_start3A_48 = arith.constant 0 : i32
      %dma_start3A_49 = tpu.memref_slice %arg9[%dma_start3A, %dma_start3A_48] : memref<128x64xf32, #tpu.memory_space<vmem>> -> memref<32x64xf32, #tpu.memory_space<vmem>>
      %dma_start3A_50 = arith.constant 0 : i32
      %dma_start3A_51 = tpu.memref_slice %arg7[%dma_start3A_50] : memref<128xi32, #tpu.memory_space<vmem>> -> memref<32xi32, #tpu.memory_space<vmem>>
      %dma_start3A_52 = arith.constant 0 : i32
      %dma_start3A_53 = arith.constant 0 : i32
      %dma_start3A_54 = tpu.memref_slice %arg2[%dma_start3A_52, %dma_start3A_53] : memref<10000x64xf32, #tpu.memory_space<hbm>> -> memref<10000x64xf32, #tpu.memory_space<hbm>>
      tpu.enqueue_indirect_dma source(%dma_start3A_54 : memref<10000x64xf32, #tpu.memory_space<hbm>>) target(%dma_start3A_49 : memref<32x64xf32, #tpu.memory_space<vmem>>) offsets(%dma_start3A_51 : memref<32xi32, #tpu.memory_space<vmem>>) semaphore(%arg12 : memref<!tpu.dma_semaphore, #tpu.memory_space<semaphore_mem>>)
      %dma_wait3A = arith.constant 0 : i32
      %dma_wait3A_55 = arith.constant 0 : i32
      %dma_wait3A_56 = tpu.memref_slice %arg9[%dma_wait3A, %dma_wait3A_55] : memref<128x64xf32, #tpu.memory_space<vmem>> -> memref<32x64xf32, #tpu.memory_space<vmem>>
      %dma_wait3A_57 = arith.constant 0 : i32
      %dma_wait3A_58 = tpu.memref_slice %arg7[%dma_wait3A_57] : memref<128xi32, #tpu.memory_space<vmem>> -> memref<32xi32, #tpu.memory_space<vmem>>
      %dma_wait3A_59 = arith.constant 0 : i32
      %dma_wait3A_60 = arith.constant 0 : i32
      %dma_wait3A_61 = tpu.memref_slice %arg2[%dma_wait3A_59, %dma_wait3A_60] : memref<10000x64xf32, #tpu.memory_space<hbm>> -> memref<10000x64xf32, #tpu.memory_space<hbm>>
      tpu.wait_indirect_dma semaphore(%arg12 : memref<!tpu.dma_semaphore, #tpu.memory_space<semaphore_mem>>) src(%dma_wait3A_61 : memref<10000x64xf32, #tpu.memory_space<hbm>>) dst(%dma_wait3A_56 : memref<32x64xf32, #tpu.memory_space<vmem>>)
    } else {
    }
    %eq3A_32 = arith.constant 1 : i32
    %eq3A_33 = arith.cmpi eq, %arg0, %eq3A_32 : i32
    %convert_element_type3A_34 = arith.extui %eq3A_33 : i1 to i32
    %cond3A_35 = arith.constant 0 : i32
    %cond3A_36 = arith.cmpi ne, %convert_element_type3A_34, %cond3A_35 : i32
    scf.if %cond3A_36 {
      %dma_start3A = arith.constant 0 : i32
      %dma_start3A_48 = arith.constant 0 : i32
      %dma_start3A_49 = tpu.memref_slice %arg9[%dma_start3A, %dma_start3A_48] : memref<128x64xf32, #tpu.memory_space<vmem>> -> memref<32x64xf32, #tpu.memory_space<vmem>>
      %dma_start3A_50 = arith.constant 0 : i32
      %dma_start3A_51 = tpu.memref_slice %arg7[%dma_start3A_50] : memref<128xi32, #tpu.memory_space<vmem>> -> memref<32xi32, #tpu.memory_space<vmem>>
      %dma_start3A_52 = arith.constant 0 : i32
      %dma_start3A_53 = arith.constant 0 : i32
      %dma_start3A_54 = tpu.memref_slice %arg3[%dma_start3A_52, %dma_start3A_53] : memref<10000x64xf32, #tpu.memory_space<hbm>> -> memref<10000x64xf32, #tpu.memory_space<hbm>>
      tpu.enqueue_indirect_dma source(%dma_start3A_54 : memref<10000x64xf32, #tpu.memory_space<hbm>>) target(%dma_start3A_49 : memref<32x64xf32, #tpu.memory_space<vmem>>) offsets(%dma_start3A_51 : memref<32xi32, #tpu.memory_space<vmem>>) semaphore(%arg12 : memref<!tpu.dma_semaphore, #tpu.memory_space<semaphore_mem>>)
      %dma_wait3A = arith.constant 0 : i32
      %dma_wait3A_55 = arith.constant 0 : i32
      %dma_wait3A_56 = tpu.memref_slice %arg9[%dma_wait3A, %dma_wait3A_55] : memref<128x64xf32, #tpu.memory_space<vmem>> -> memref<32x64xf32, #tpu.memory_space<vmem>>
      %dma_wait3A_57 = arith.constant 0 : i32
      %dma_wait3A_58 = tpu.memref_slice %arg7[%dma_wait3A_57] : memref<128xi32, #tpu.memory_space<vmem>> -> memref<32xi32, #tpu.memory_space<vmem>>
      %dma_wait3A_59 = arith.constant 0 : i32
      %dma_wait3A_60 = arith.constant 0 : i32
      %dma_wait3A_61 = tpu.memref_slice %arg3[%dma_wait3A_59, %dma_wait3A_60] : memref<10000x64xf32, #tpu.memory_space<hbm>> -> memref<10000x64xf32, #tpu.memory_space<hbm>>
      tpu.wait_indirect_dma semaphore(%arg12 : memref<!tpu.dma_semaphore, #tpu.memory_space<semaphore_mem>>) src(%dma_wait3A_61 : memref<10000x64xf32, #tpu.memory_space<hbm>>) dst(%dma_wait3A_56 : memref<32x64xf32, #tpu.memory_space<vmem>>)
    } else {
    }
    "tpu.region"() ({
      %run_scoped3A = tpu.sem_alloc : memref<!tpu.dma_semaphore, #tpu.memory_space<semaphore_mem>>
      %dma_start3A = arith.constant 0 : i32
      %dma_start3A_48 = arith.constant 0 : i32
      %dma_start3A_49 = tpu.memref_slice %arg9[%dma_start3A, %dma_start3A_48] : memref<128x64xf32, #tpu.memory_space<vmem>> -> memref<32x64xf32, #tpu.memory_space<vmem>>
      %dma_start3A_50 = arith.constant 0 : i32
      %dma_start3A_51 = tpu.memref_slice %arg8[%dma_start3A_50] : memref<128xi32, #tpu.memory_space<vmem>> -> memref<32xi32, #tpu.memory_space<vmem>>
      %dma_start3A_52 = arith.constant 0 : i32
      %dma_start3A_53 = arith.constant 0 : i32
      %dma_start3A_54 = tpu.memref_slice %arg11[%dma_start3A_52, %dma_start3A_53] : memref<10000x64xf32, #tpu.memory_space<vmem_shared>> -> memref<10000x64xf32, #tpu.memory_space<vmem_shared>>
      tpu.enqueue_indirect_dma source(%dma_start3A_49 : memref<32x64xf32, #tpu.memory_space<vmem>>) target(%dma_start3A_54 : memref<10000x64xf32, #tpu.memory_space<vmem_shared>>) offsets(%dma_start3A_51 : memref<32xi32, #tpu.memory_space<vmem>>) semaphore(%run_scoped3A : memref<!tpu.dma_semaphore, #tpu.memory_space<semaphore_mem>>) {add = true}
      %dma_wait3A = arith.constant 0 : i32
      %dma_wait3A_55 = arith.constant 0 : i32
      %dma_wait3A_56 = tpu.memref_slice %arg9[%dma_wait3A, %dma_wait3A_55] : memref<128x64xf32, #tpu.memory_space<vmem>> -> memref<32x64xf32, #tpu.memory_space<vmem>>
      %dma_wait3A_57 = arith.constant 0 : i32
      %dma_wait3A_58 = tpu.memref_slice %arg8[%dma_wait3A_57] : memref<128xi32, #tpu.memory_space<vmem>> -> memref<32xi32, #tpu.memory_space<vmem>>
      %dma_wait3A_59 = arith.constant 0 : i32
      %dma_wait3A_60 = arith.constant 0 : i32
      %dma_wait3A_61 = tpu.memref_slice %arg11[%dma_wait3A_59, %dma_wait3A_60] : memref<10000x64xf32, #tpu.memory_space<vmem_shared>> -> memref<10000x64xf32, #tpu.memory_space<vmem_shared>>
      tpu.wait_indirect_dma semaphore(%run_scoped3A : memref<!tpu.dma_semaphore, #tpu.memory_space<semaphore_mem>>) src(%dma_wait3A_56 : memref<32x64xf32, #tpu.memory_space<vmem>>) dst(%dma_wait3A_61 : memref<10000x64xf32, #tpu.memory_space<vmem_shared>>)
      tpu.yield
    }) : () -> ()
    %barrier3A_37 = arith.constant 0 : index
    tpu.barrier barrier_id(%barrier3A_37)
    %lt3A_38 = arith.constant 15 : i32
    %lt3A_39 = arith.cmpi slt, %arg1, %lt3A_38 : i32
    %convert_element_type3A_40 = arith.extui %lt3A_39 : i1 to i32
    %cond3A_41 = arith.constant 0 : i32
    %cond3A_42 = arith.cmpi ne, %convert_element_type3A_40, %cond3A_41 : i32
    scf.if %cond3A_42 {
      "tpu.region"() ({
        %run_scoped3A = tpu.sem_alloc : memref<!tpu.dma_semaphore, #tpu.memory_space<semaphore_mem>>
        %dma_start3A = arith.constant 0 : i32
        %dma_start3A_48 = tpu.memref_slice %arg6[%arg0, %mul3A_10, %dma_start3A] : memref<2x10000x64xf32, #tpu.memory_space<hbm>> -> memref<1x632x64xf32, #tpu.memory_space<hbm>>
        %dma_start3A_49 = tpu.memref_squeeze %dma_start3A_48 : memref<1x632x64xf32, #tpu.memory_space<hbm>> -> memref<632x64xf32, #tpu.memory_space<hbm>>
        %dma_start3A_50 = arith.constant 0 : i32
        %dma_start3A_51 = tpu.memref_slice %arg11[%mul3A_10, %dma_start3A_50] : memref<10000x64xf32, #tpu.memory_space<vmem_shared>> -> memref<632x64xf32, #tpu.memory_space<vmem_shared>>
        tpu.enqueue_dma source(%dma_start3A_51 : memref<632x64xf32, #tpu.memory_space<vmem_shared>>) target(%dma_start3A_49 : memref<632x64xf32, #tpu.memory_space<hbm>>) target_semaphore(%run_scoped3A : memref<!tpu.dma_semaphore, #tpu.memory_space<semaphore_mem>>)
        %dma_wait3A = arith.constant 0 : i32
        %dma_wait3A_52 = tpu.memref_slice %arg6[%arg0, %mul3A_10, %dma_wait3A] : memref<2x10000x64xf32, #tpu.memory_space<hbm>> -> memref<1x632x64xf32, #tpu.memory_space<hbm>>
        %dma_wait3A_53 = tpu.memref_squeeze %dma_wait3A_52 : memref<1x632x64xf32, #tpu.memory_space<hbm>> -> memref<632x64xf32, #tpu.memory_space<hbm>>
        %dma_wait3A_54 = arith.constant 0 : i32
        %dma_wait3A_55 = tpu.memref_slice %arg11[%mul3A_10, %dma_wait3A_54] : memref<10000x64xf32, #tpu.memory_space<vmem_shared>> -> memref<632x64xf32, #tpu.memory_space<vmem_shared>>
        tpu.wait_dma2 semaphore(%run_scoped3A : memref<!tpu.dma_semaphore, #tpu.memory_space<semaphore_mem>>) src(%dma_wait3A_55 : memref<632x64xf32, #tpu.memory_space<vmem_shared>>) dst(%dma_wait3A_53 : memref<632x64xf32, #tpu.memory_space<hbm>>)
        tpu.yield
      }) : () -> ()
    } else {
    }
    %eq3A_43 = arith.constant 15 : i32
    %eq3A_44 = arith.cmpi eq, %arg1, %eq3A_43 : i32
    %convert_element_type3A_45 = arith.extui %eq3A_44 : i1 to i32
    %cond3A_46 = arith.constant 0 : i32
    %cond3A_47 = arith.cmpi ne, %convert_element_type3A_45, %cond3A_46 : i32
    scf.if %cond3A_47 {
      "tpu.region"() ({
        %run_scoped3A = tpu.sem_alloc : memref<!tpu.dma_semaphore, #tpu.memory_space<semaphore_mem>>
        %dma_start3A = arith.constant 9480 : i32
        %dma_start3A_48 = arith.constant 0 : i32
        %dma_start3A_49 = tpu.memref_slice %arg6[%arg0, %dma_start3A, %dma_start3A_48] : memref<2x10000x64xf32, #tpu.memory_space<hbm>> -> memref<1x520x64xf32, #tpu.memory_space<hbm>>
        %dma_start3A_50 = tpu.memref_squeeze %dma_start3A_49 : memref<1x520x64xf32, #tpu.memory_space<hbm>> -> memref<520x64xf32, #tpu.memory_space<hbm>>
        %dma_start3A_51 = arith.constant 9480 : i32
        %dma_start3A_52 = arith.constant 0 : i32
        %dma_start3A_53 = tpu.memref_slice %arg11[%dma_start3A_51, %dma_start3A_52] : memref<10000x64xf32, #tpu.memory_space<vmem_shared>> -> memref<520x64xf32, #tpu.memory_space<vmem_shared>>
        tpu.enqueue_dma source(%dma_start3A_53 : memref<520x64xf32, #tpu.memory_space<vmem_shared>>) target(%dma_start3A_50 : memref<520x64xf32, #tpu.memory_space<hbm>>) target_semaphore(%run_scoped3A : memref<!tpu.dma_semaphore, #tpu.memory_space<semaphore_mem>>)
        %dma_wait3A = arith.constant 9480 : i32
        %dma_wait3A_54 = arith.constant 0 : i32
        %dma_wait3A_55 = tpu.memref_slice %arg6[%arg0, %dma_wait3A, %dma_wait3A_54] : memref<2x10000x64xf32, #tpu.memory_space<hbm>> -> memref<1x520x64xf32, #tpu.memory_space<hbm>>
        %dma_wait3A_56 = tpu.memref_squeeze %dma_wait3A_55 : memref<1x520x64xf32, #tpu.memory_space<hbm>> -> memref<520x64xf32, #tpu.memory_space<hbm>>
        %dma_wait3A_57 = arith.constant 9480 : i32
        %dma_wait3A_58 = arith.constant 0 : i32
        %dma_wait3A_59 = tpu.memref_slice %arg11[%dma_wait3A_57, %dma_wait3A_58] : memref<10000x64xf32, #tpu.memory_space<vmem_shared>> -> memref<520x64xf32, #tpu.memory_space<vmem_shared>>
        tpu.wait_dma2 semaphore(%run_scoped3A : memref<!tpu.dma_semaphore, #tpu.memory_space<semaphore_mem>>) src(%dma_wait3A_59 : memref<520x64xf32, #tpu.memory_space<vmem_shared>>) dst(%dma_wait3A_56 : memref<520x64xf32, #tpu.memory_space<hbm>>)
        tpu.yield
      }) : () -> ()
    } else {
    }
    return
  }
}

#map = affine_map<(d0, d1) -> (0, 0)>
#map1 = affine_map<(d0, d1) -> (0)>
#map2 = affine_map<(d0, d1) -> (0, 0, 0)>
module attributes {stable_mosaic.version = 14 : i64} {
  func.func @body(%arg0: i32, %arg1: i32, %arg2: memref<10000x64xf32, #tpu.memory_space<hbm>>, %arg3: memref<10000x64xf32, #tpu.memory_space<hbm>>, %arg4: memref<320000xi32, #tpu.memory_space<hbm>>, %arg5: memref<320000xi32, #tpu.memory_space<hbm>>, %arg6: memref<2x10000x64xf32, #tpu.memory_space<hbm>>, %arg7: memref<128xi32, #tpu.memory_space<vmem>>, %arg8: memref<128xi32, #tpu.memory_space<vmem>>, %arg9: memref<128x64xf32, #tpu.memory_space<vmem>>, %arg10: memref<632x64xf32, #tpu.memory_space<vmem>>, %arg11: memref<10000x64xf32, #tpu.memory_space<vmem_shared>>, %arg12: memref<!tpu.dma_semaphore, #tpu.memory_space<semaphore_mem>>) attributes {dimension_semantics = [#tpu.dimension_semantics<core_parallel>, #tpu.dimension_semantics<subcore_parallel>], iteration_bounds = array<i64: 2, 16>, scalar_prefetch = 0 : i64, scratch_operands = 6 : i64, tpu.core_type = #tpu.core_type<sc_vector_subcore>, window_params = [{transform_indices = #map}, {transform_indices = #map}, {transform_indices = #map1}, {transform_indices = #map1}, {transform_indices = #map2}]} {
    %mul3A = arith.constant 16 : i32
    %mul3A_0 = arith.muli %arg0, %mul3A : i32
    %add3A = arith.addi %mul3A_0, %arg1 : i32
    %broadcast_in_dim3A = arith.constant 0.000000e+00 : f32
    %broadcast_in_dim3A_1 = vector.broadcast %broadcast_in_dim3A : f32 to vector<16xf32>
    %broadcast_in_dim3A_2 = arith.constant 1.000000e+00 : f32
    %broadcast_in_dim3A_3 = vector.broadcast %broadcast_in_dim3A_2 : f32 to vector<16xf32>
    %scan3A = arith.constant 0 : i32
    %scan3A_4 = arith.constant 0 : i32
    %scan3A_5 = arith.constant 632 : i32
    %scan3A_6 = arith.addi %scan3A_4, %scan3A_5 : i32
    %scan3A_7 = arith.constant 1 : i32
    scf.for %scan3A_48 = %scan3A_4 to %scan3A_6 step %scan3A_7  : i32 {
      %scan3A_49 = arith.constant 0 : i32
      %scan3A_50 = arith.constant 4 : i32
      %scan3A_51 = arith.addi %scan3A_49, %scan3A_50 : i32
      %scan3A_52 = arith.constant 1 : i32
      scf.for %scan3A_54 = %scan3A_49 to %scan3A_51 step %scan3A_52  : i32 {
        %mul3A_55 = arith.constant 16 : i32
        %mul3A_56 = arith.muli %scan3A_54, %mul3A_55 : i32
        %swap3A = arith.index_cast %scan3A_48 : i32 to index
        %swap3A_57 = arith.index_cast %mul3A_56 : i32 to index
        %swap3A_58 = tpu.vector_load %arg10[%swap3A, %swap3A_57] {strides = array<i32>} : memref<632x64xf32, #tpu.memory_space<vmem>>, vector<16xf32>,
        tpu.vector_store %arg10[%swap3A, %swap3A_57], %broadcast_in_dim3A_1 {strides = array<i32>} : memref<632x64xf32, #tpu.memory_space<vmem>>, vector<16xf32>,
      }
      %scan3A_53 = arith.constant 4 : i32
    }
    %scan3A_8 = arith.constant 632 : i32
    %mul3A_9 = arith.constant 632 : i32
    %mul3A_10 = arith.muli %arg1, %mul3A_9 : i32
    %lt3A = arith.constant 15 : i32
    %lt3A_11 = arith.cmpi slt, %arg1, %lt3A : i32
    %convert_element_type3A = arith.extui %lt3A_11 : i1 to i32
    %cond3A = arith.constant 0 : i32
    %cond3A_12 = arith.cmpi ne, %convert_element_type3A, %cond3A : i32
    scf.if %cond3A_12 {
      "tpu.region"() ({
        %run_scoped3A = tpu.sem_alloc : memref<!tpu.dma_semaphore, #tpu.memory_space<semaphore_mem>>
        %dma_start3A = arith.constant 0 : i32
        %dma_start3A_48 = tpu.memref_slice %arg11[%mul3A_10, %dma_start3A] : memref<10000x64xf32, #tpu.memory_space<vmem_shared>> -> memref<632x64xf32, #tpu.memory_space<vmem_shared>>
        %dma_start3A_49 = arith.constant 0 : i32
        %dma_start3A_50 = tpu.memref_slice %arg11[%mul3A_10, %dma_start3A_49] : memref<10000x64xf32, #tpu.memory_space<vmem_shared>> -> memref<632x64xf32, #tpu.memory_space<vmem_shared>>
        tpu.enqueue_dma source(%arg10 : memref<632x64xf32, #tpu.memory_space<vmem>>) target(%dma_start3A_50 : memref<632x64xf32, #tpu.memory_space<vmem_shared>>) target_semaphore(%run_scoped3A : memref<!tpu.dma_semaphore, #tpu.memory_space<semaphore_mem>>)
        %dma_wait3A = arith.constant 0 : i32
        %dma_wait3A_51 = tpu.memref_slice %arg11[%mul3A_10, %dma_wait3A] : memref<10000x64xf32, #tpu.memory_space<vmem_shared>> -> memref<632x64xf32, #tpu.memory_space<vmem_shared>>
        %dma_wait3A_52 = arith.constant 0 : i32
        %dma_wait3A_53 = tpu.memref_slice %arg11[%mul3A_10, %dma_wait3A_52] : memref<10000x64xf32, #tpu.memory_space<vmem_shared>> -> memref<632x64xf32, #tpu.memory_space<vmem_shared>>
        tpu.wait_dma2 semaphore(%run_scoped3A : memref<!tpu.dma_semaphore, #tpu.memory_space<semaphore_mem>>) src(%arg10 : memref<632x64xf32, #tpu.memory_space<vmem>>) dst(%dma_wait3A_53 : memref<632x64xf32, #tpu.memory_space<vmem_shared>>)
        tpu.yield
      }) : () -> ()
    } else {
    }
    %eq3A = arith.constant 15 : i32
    %eq3A_13 = arith.cmpi eq, %arg1, %eq3A : i32
    %convert_element_type3A_14 = arith.extui %eq3A_13 : i1 to i32
    %cond3A_15 = arith.constant 0 : i32
    %cond3A_16 = arith.cmpi ne, %convert_element_type3A_14, %cond3A_15 : i32
    scf.if %cond3A_16 {
      "tpu.region"() ({
        %run_scoped3A = tpu.sem_alloc : memref<!tpu.dma_semaphore, #tpu.memory_space<semaphore_mem>>
        %dma_start3A = arith.constant 0 : i32
        %dma_start3A_48 = arith.constant 0 : i32
        %dma_start3A_49 = tpu.memref_slice %arg10[%dma_start3A, %dma_start3A_48] : memref<632x64xf32, #tpu.memory_space<vmem>> -> memref<520x64xf32, #tpu.memory_space<vmem>>
        %dma_start3A_50 = arith.constant 9480 : i32
        %dma_start3A_51 = arith.constant 0 : i32
        %dma_start3A_52 = tpu.memref_slice %arg11[%dma_start3A_50, %dma_start3A_51] : memref<10000x64xf32, #tpu.memory_space<vmem_shared>> -> memref<520x64xf32, #tpu.memory_space<vmem_shared>>
        %dma_start3A_53 = arith.constant 9480 : i32
        %dma_start3A_54 = arith.constant 0 : i32
        %dma_start3A_55 = tpu.memref_slice %arg11[%dma_start3A_53, %dma_start3A_54] : memref<10000x64xf32, #tpu.memory_space<vmem_shared>> -> memref<520x64xf32, #tpu.memory_space<vmem_shared>>
        %dma_start3A_56 = arith.constant 0 : i32
        %dma_start3A_57 = arith.constant 0 : i32
        %dma_start3A_58 = tpu.memref_slice %arg10[%dma_start3A_56, %dma_start3A_57] : memref<632x64xf32, #tpu.memory_space<vmem>> -> memref<520x64xf32, #tpu.memory_space<vmem>>
        tpu.enqueue_dma source(%dma_start3A_58 : memref<520x64xf32, #tpu.memory_space<vmem>>) target(%dma_start3A_55 : memref<520x64xf32, #tpu.memory_space<vmem_shared>>) target_semaphore(%run_scoped3A : memref<!tpu.dma_semaphore, #tpu.memory_space<semaphore_mem>>)
        %dma_wait3A = arith.constant 0 : i32
        %dma_wait3A_59 = arith.constant 0 : i32
        %dma_wait3A_60 = tpu.memref_slice %arg10[%dma_wait3A, %dma_wait3A_59] : memref<632x64xf32, #tpu.memory_space<vmem>> -> memref<520x64xf32, #tpu.memory_space<vmem>>
        %dma_wait3A_61 = arith.constant 9480 : i32
        %dma_wait3A_62 = arith.constant 0 : i32
        %dma_wait3A_63 = tpu.memref_slice %arg11[%dma_wait3A_61, %dma_wait3A_62] : memref<10000x64xf32, #tpu.memory_space<vmem_shared>> -> memref<520x64xf32, #tpu.memory_space<vmem_shared>>
        %dma_wait3A_64 = arith.constant 9480 : i32
        %dma_wait3A_65 = arith.constant 0 : i32
        %dma_wait3A_66 = tpu.memref_slice %arg11[%dma_wait3A_64, %dma_wait3A_65] : memref<10000x64xf32, #tpu.memory_space<vmem_shared>> -> memref<520x64xf32, #tpu.memory_space<vmem_shared>>
        %dma_wait3A_67 = arith.constant 0 : i32
        %dma_wait3A_68 = arith.constant 0 : i32
        %dma_wait3A_69 = tpu.memref_slice %arg10[%dma_wait3A_67, %dma_wait3A_68] : memref<632x64xf32, #tpu.memory_space<vmem>> -> memref<520x64xf32, #tpu.memory_space<vmem>>
        tpu.wait_dma2 semaphore(%run_scoped3A : memref<!tpu.dma_semaphore, #tpu.memory_space<semaphore_mem>>) src(%dma_wait3A_69 : memref<520x64xf32, #tpu.memory_space<vmem>>) dst(%dma_wait3A_66 : memref<520x64xf32, #tpu.memory_space<vmem_shared>>)
        tpu.yield
      }) : () -> ()
    } else {
    }
    %barrier3A = arith.constant 0 : index
    tpu.barrier barrier_id(%barrier3A)
    %mul3A_17 = arith.constant 20000 : i32
    %mul3A_18 = arith.muli %arg1, %mul3A_17 : i32
    %scan3A_19 = arith.constant 0 : i32
    %scan3A_20 = arith.constant 0 : i32
    %scan3A_21 = arith.constant 156 : i32
    %scan3A_22 = arith.addi %scan3A_20, %scan3A_21 : i32
    %scan3A_23 = arith.constant 1 : i32
    scf.for %scan3A_48 = %scan3A_20 to %scan3A_22 step %scan3A_23  : i32 {
      %mul3A_49 = arith.constant 128 : i32
      %mul3A_50 = arith.muli %scan3A_48, %mul3A_49 : i32
      %add3A_51 = arith.addi %mul3A_18, %mul3A_50 : i32
      "tpu.region"() ({
        %run_scoped3A = tpu.sem_alloc : memref<!tpu.dma_semaphore, #tpu.memory_space<semaphore_mem>>
        %dma_start3A = arith.constant 0 : i32
        %dma_start3A_62 = tpu.memref_slice %arg7[%dma_start3A] : memref<128xi32, #tpu.memory_space<vmem>> -> memref<128xi32, #tpu.memory_space<vmem>>
        %dma_start3A_63 = tpu.memref_slice %arg4[%add3A_51] : memref<320000xi32, #tpu.memory_space<hbm>> -> memref<128xi32, #tpu.memory_space<hbm>>
        %dma_start3A_64 = arith.constant 0 : i32
        %dma_start3A_65 = tpu.memref_slice %arg7[%dma_start3A_64] : memref<128xi32, #tpu.memory_space<vmem>> -> memref<128xi32, #tpu.memory_space<vmem>>
        %dma_start3A_66 = tpu.memref_slice %arg4[%add3A_51] : memref<320000xi32, #tpu.memory_space<hbm>> -> memref<128xi32, #tpu.memory_space<hbm>>
        tpu.enqueue_dma source(%dma_start3A_66 : memref<128xi32, #tpu.memory_space<hbm>>) target(%dma_start3A_65 : memref<128xi32, #tpu.memory_space<vmem>>) target_semaphore(%run_scoped3A : memref<!tpu.dma_semaphore, #tpu.memory_space<semaphore_mem>>)
        %dma_wait3A = arith.constant 0 : i32
        %dma_wait3A_67 = tpu.memref_slice %arg7[%dma_wait3A] : memref<128xi32, #tpu.memory_space<vmem>> -> memref<128xi32, #tpu.memory_space<vmem>>
        %dma_wait3A_68 = tpu.memref_slice %arg4[%add3A_51] : memref<320000xi32, #tpu.memory_space<hbm>> -> memref<128xi32, #tpu.memory_space<hbm>>
        %dma_wait3A_69 = arith.constant 0 : i32
        %dma_wait3A_70 = tpu.memref_slice %arg7[%dma_wait3A_69] : memref<128xi32, #tpu.memory_space<vmem>> -> memref<128xi32, #tpu.memory_space<vmem>>
        %dma_wait3A_71 = tpu.memref_slice %arg4[%add3A_51] : memref<320000xi32, #tpu.memory_space<hbm>> -> memref<128xi32, #tpu.memory_space<hbm>>
        tpu.wait_dma2 semaphore(%run_scoped3A : memref<!tpu.dma_semaphore, #tpu.memory_space<semaphore_mem>>) src(%dma_wait3A_71 : memref<128xi32, #tpu.memory_space<hbm>>) dst(%dma_wait3A_70 : memref<128xi32, #tpu.memory_space<vmem>>)
        tpu.yield
      }) : () -> ()
      "tpu.region"() ({
        %run_scoped3A = tpu.sem_alloc : memref<!tpu.dma_semaphore, #tpu.memory_space<semaphore_mem>>
        %dma_start3A = arith.constant 0 : i32
        %dma_start3A_62 = tpu.memref_slice %arg8[%dma_start3A] : memref<128xi32, #tpu.memory_space<vmem>> -> memref<128xi32, #tpu.memory_space<vmem>>
        %dma_start3A_63 = tpu.memref_slice %arg5[%add3A_51] : memref<320000xi32, #tpu.memory_space<hbm>> -> memref<128xi32, #tpu.memory_space<hbm>>
        %dma_start3A_64 = arith.constant 0 : i32
        %dma_start3A_65 = tpu.memref_slice %arg8[%dma_start3A_64] : memref<128xi32, #tpu.memory_space<vmem>> -> memref<128xi32, #tpu.memory_space<vmem>>
        %dma_start3A_66 = tpu.memref_slice %arg5[%add3A_51] : memref<320000xi32, #tpu.memory_space<hbm>> -> memref<128xi32, #tpu.memory_space<hbm>>
        tpu.enqueue_dma source(%dma_start3A_66 : memref<128xi32, #tpu.memory_space<hbm>>) target(%dma_start3A_65 : memref<128xi32, #tpu.memory_space<vmem>>) target_semaphore(%run_scoped3A : memref<!tpu.dma_semaphore, #tpu.memory_space<semaphore_mem>>)
        %dma_wait3A = arith.constant 0 : i32
        %dma_wait3A_67 = tpu.memref_slice %arg8[%dma_wait3A] : memref<128xi32, #tpu.memory_space<vmem>> -> memref<128xi32, #tpu.memory_space<vmem>>
        %dma_wait3A_68 = tpu.memref_slice %arg5[%add3A_51] : memref<320000xi32, #tpu.memory_space<hbm>> -> memref<128xi32, #tpu.memory_space<hbm>>
        %dma_wait3A_69 = arith.constant 0 : i32
        %dma_wait3A_70 = tpu.memref_slice %arg8[%dma_wait3A_69] : memref<128xi32, #tpu.memory_space<vmem>> -> memref<128xi32, #tpu.memory_space<vmem>>
        %dma_wait3A_71 = tpu.memref_slice %arg5[%add3A_51] : memref<320000xi32, #tpu.memory_space<hbm>> -> memref<128xi32, #tpu.memory_space<hbm>>
        tpu.wait_dma2 semaphore(%run_scoped3A : memref<!tpu.dma_semaphore, #tpu.memory_space<semaphore_mem>>) src(%dma_wait3A_71 : memref<128xi32, #tpu.memory_space<hbm>>) dst(%dma_wait3A_70 : memref<128xi32, #tpu.memory_space<vmem>>)
        tpu.yield
      }) : () -> ()
      %eq3A_52 = arith.constant 0 : i32
      %eq3A_53 = arith.cmpi eq, %arg0, %eq3A_52 : i32
      %convert_element_type3A_54 = arith.extui %eq3A_53 : i1 to i32
      %cond3A_55 = arith.constant 0 : i32
      %cond3A_56 = arith.cmpi ne, %convert_element_type3A_54, %cond3A_55 : i32
      scf.if %cond3A_56 {
        %dma_start3A = arith.constant 0 : i32
        %dma_start3A_62 = arith.constant 0 : i32
        %dma_start3A_63 = tpu.memref_slice %arg2[%dma_start3A, %dma_start3A_62] : memref<10000x64xf32, #tpu.memory_space<hbm>> -> memref<10000x64xf32, #tpu.memory_space<hbm>>
        tpu.enqueue_indirect_dma source(%dma_start3A_63 : memref<10000x64xf32, #tpu.memory_space<hbm>>) target(%arg9 : memref<128x64xf32, #tpu.memory_space<vmem>>) offsets(%arg7 : memref<128xi32, #tpu.memory_space<vmem>>) semaphore(%arg12 : memref<!tpu.dma_semaphore, #tpu.memory_space<semaphore_mem>>)
        %dma_wait3A = arith.constant 0 : i32
        %dma_wait3A_64 = arith.constant 0 : i32
        %dma_wait3A_65 = tpu.memref_slice %arg2[%dma_wait3A, %dma_wait3A_64] : memref<10000x64xf32, #tpu.memory_space<hbm>> -> memref<10000x64xf32, #tpu.memory_space<hbm>>
        tpu.wait_indirect_dma semaphore(%arg12 : memref<!tpu.dma_semaphore, #tpu.memory_space<semaphore_mem>>) src(%dma_wait3A_65 : memref<10000x64xf32, #tpu.memory_space<hbm>>) dst(%arg9 : memref<128x64xf32, #tpu.memory_space<vmem>>)
      } else {
      }
      %eq3A_57 = arith.constant 1 : i32
      %eq3A_58 = arith.cmpi eq, %arg0, %eq3A_57 : i32
      %convert_element_type3A_59 = arith.extui %eq3A_58 : i1 to i32
      %cond3A_60 = arith.constant 0 : i32
      %cond3A_61 = arith.cmpi ne, %convert_element_type3A_59, %cond3A_60 : i32
      scf.if %cond3A_61 {
        %dma_start3A = arith.constant 0 : i32
        %dma_start3A_62 = arith.constant 0 : i32
        %dma_start3A_63 = tpu.memref_slice %arg3[%dma_start3A, %dma_start3A_62] : memref<10000x64xf32, #tpu.memory_space<hbm>> -> memref<10000x64xf32, #tpu.memory_space<hbm>>
        tpu.enqueue_indirect_dma source(%dma_start3A_63 : memref<10000x64xf32, #tpu.memory_space<hbm>>) target(%arg9 : memref<128x64xf32, #tpu.memory_space<vmem>>) offsets(%arg7 : memref<128xi32, #tpu.memory_space<vmem>>) semaphore(%arg12 : memref<!tpu.dma_semaphore, #tpu.memory_space<semaphore_mem>>)
        %dma_wait3A = arith.constant 0 : i32
        %dma_wait3A_64 = arith.constant 0 : i32
        %dma_wait3A_65 = tpu.memref_slice %arg3[%dma_wait3A, %dma_wait3A_64] : memref<10000x64xf32, #tpu.memory_space<hbm>> -> memref<10000x64xf32, #tpu.memory_space<hbm>>
        tpu.wait_indirect_dma semaphore(%arg12 : memref<!tpu.dma_semaphore, #tpu.memory_space<semaphore_mem>>) src(%dma_wait3A_65 : memref<10000x64xf32, #tpu.memory_space<hbm>>) dst(%arg9 : memref<128x64xf32, #tpu.memory_space<vmem>>)
      } else {
      }
      "tpu.region"() ({
        %run_scoped3A = tpu.sem_alloc : memref<!tpu.dma_semaphore, #tpu.memory_space<semaphore_mem>>
        %dma_start3A = arith.constant 0 : i32
        %dma_start3A_62 = arith.constant 0 : i32
        %dma_start3A_63 = tpu.memref_slice %arg11[%dma_start3A, %dma_start3A_62] : memref<10000x64xf32, #tpu.memory_space<vmem_shared>> -> memref<10000x64xf32, #tpu.memory_space<vmem_shared>>
        tpu.enqueue_indirect_dma source(%arg9 : memref<128x64xf32, #tpu.memory_space<vmem>>) target(%dma_start3A_63 : memref<10000x64xf32, #tpu.memory_space<vmem_shared>>) offsets(%arg8 : memref<128xi32, #tpu.memory_space<vmem>>) semaphore(%run_scoped3A : memref<!tpu.dma_semaphore, #tpu.memory_space<semaphore_mem>>) {add = true}
        %dma_wait3A = arith.constant 0 : i32
        %dma_wait3A_64 = arith.constant 0 : i32
        %dma_wait3A_65 = tpu.memref_slice %arg11[%dma_wait3A, %dma_wait3A_64] : memref<10000x64xf32, #tpu.memory_space<vmem_shared>> -> memref<10000x64xf32, #tpu.memory_space<vmem_shared>>
        tpu.wait_indirect_dma semaphore(%run_scoped3A : memref<!tpu.dma_semaphore, #tpu.memory_space<semaphore_mem>>) src(%arg9 : memref<128x64xf32, #tpu.memory_space<vmem>>) dst(%dma_wait3A_65 : memref<10000x64xf32, #tpu.memory_space<vmem_shared>>)
        tpu.yield
      }) : () -> ()
    }
    %scan3A_24 = arith.constant 156 : i32
    %add3A_25 = arith.constant 19968 : i32
    %add3A_26 = arith.addi %mul3A_18, %add3A_25 : i32
    "tpu.region"() ({
      %run_scoped3A = tpu.sem_alloc : memref<!tpu.dma_semaphore, #tpu.memory_space<semaphore_mem>>
      %dma_start3A = arith.constant 0 : i32
      %dma_start3A_48 = tpu.memref_slice %arg7[%dma_start3A] : memref<128xi32, #tpu.memory_space<vmem>> -> memref<32xi32, #tpu.memory_space<vmem>>
      %dma_start3A_49 = tpu.memref_slice %arg4[%add3A_26] : memref<320000xi32, #tpu.memory_space<hbm>> -> memref<32xi32, #tpu.memory_space<hbm>>
      %dma_start3A_50 = arith.constant 0 : i32
      %dma_start3A_51 = tpu.memref_slice %arg7[%dma_start3A_50] : memref<128xi32, #tpu.memory_space<vmem>> -> memref<32xi32, #tpu.memory_space<vmem>>
      %dma_start3A_52 = tpu.memref_slice %arg4[%add3A_26] : memref<320000xi32, #tpu.memory_space<hbm>> -> memref<32xi32, #tpu.memory_space<hbm>>
      tpu.enqueue_dma source(%dma_start3A_52 : memref<32xi32, #tpu.memory_space<hbm>>) target(%dma_start3A_51 : memref<32xi32, #tpu.memory_space<vmem>>) target_semaphore(%run_scoped3A : memref<!tpu.dma_semaphore, #tpu.memory_space<semaphore_mem>>)
      %dma_wait3A = arith.constant 0 : i32
      %dma_wait3A_53 = tpu.memref_slice %arg7[%dma_wait3A] : memref<128xi32, #tpu.memory_space<vmem>> -> memref<32xi32, #tpu.memory_space<vmem>>
      %dma_wait3A_54 = tpu.memref_slice %arg4[%add3A_26] : memref<320000xi32, #tpu.memory_space<hbm>> -> memref<32xi32, #tpu.memory_space<hbm>>
      %dma_wait3A_55 = arith.constant 0 : i32
      %dma_wait3A_56 = tpu.memref_slice %arg7[%dma_wait3A_55] : memref<128xi32, #tpu.memory_space<vmem>> -> memref<32xi32, #tpu.memory_space<vmem>>
      %dma_wait3A_57 = tpu.memref_slice %arg4[%add3A_26] : memref<320000xi32, #tpu.memory_space<hbm>> -> memref<32xi32, #tpu.memory_space<hbm>>
      tpu.wait_dma2 semaphore(%run_scoped3A : memref<!tpu.dma_semaphore, #tpu.memory_space<semaphore_mem>>) src(%dma_wait3A_57 : memref<32xi32, #tpu.memory_space<hbm>>) dst(%dma_wait3A_56 : memref<32xi32, #tpu.memory_space<vmem>>)
      tpu.yield
    }) : () -> ()
    "tpu.region"() ({
      %run_scoped3A = tpu.sem_alloc : memref<!tpu.dma_semaphore, #tpu.memory_space<semaphore_mem>>
      %dma_start3A = arith.constant 0 : i32
      %dma_start3A_48 = tpu.memref_slice %arg8[%dma_start3A] : memref<128xi32, #tpu.memory_space<vmem>> -> memref<32xi32, #tpu.memory_space<vmem>>
      %dma_start3A_49 = tpu.memref_slice %arg5[%add3A_26] : memref<320000xi32, #tpu.memory_space<hbm>> -> memref<32xi32, #tpu.memory_space<hbm>>
      %dma_start3A_50 = arith.constant 0 : i32
      %dma_start3A_51 = tpu.memref_slice %arg8[%dma_start3A_50] : memref<128xi32, #tpu.memory_space<vmem>> -> memref<32xi32, #tpu.memory_space<vmem>>
      %dma_start3A_52 = tpu.memref_slice %arg5[%add3A_26] : memref<320000xi32, #tpu.memory_space<hbm>> -> memref<32xi32, #tpu.memory_space<hbm>>
      tpu.enqueue_dma source(%dma_start3A_52 : memref<32xi32, #tpu.memory_space<hbm>>) target(%dma_start3A_51 : memref<32xi32, #tpu.memory_space<vmem>>) target_semaphore(%run_scoped3A : memref<!tpu.dma_semaphore, #tpu.memory_space<semaphore_mem>>)
      %dma_wait3A = arith.constant 0 : i32
      %dma_wait3A_53 = tpu.memref_slice %arg8[%dma_wait3A] : memref<128xi32, #tpu.memory_space<vmem>> -> memref<32xi32, #tpu.memory_space<vmem>>
      %dma_wait3A_54 = tpu.memref_slice %arg5[%add3A_26] : memref<320000xi32, #tpu.memory_space<hbm>> -> memref<32xi32, #tpu.memory_space<hbm>>
      %dma_wait3A_55 = arith.constant 0 : i32
      %dma_wait3A_56 = tpu.memref_slice %arg8[%dma_wait3A_55] : memref<128xi32, #tpu.memory_space<vmem>> -> memref<32xi32, #tpu.memory_space<vmem>>
      %dma_wait3A_57 = tpu.memref_slice %arg5[%add3A_26] : memref<320000xi32, #tpu.memory_space<hbm>> -> memref<32xi32, #tpu.memory_space<hbm>>
      tpu.wait_dma2 semaphore(%run_scoped3A : memref<!tpu.dma_semaphore, #tpu.memory_space<semaphore_mem>>) src(%dma_wait3A_57 : memref<32xi32, #tpu.memory_space<hbm>>) dst(%dma_wait3A_56 : memref<32xi32, #tpu.memory_space<vmem>>)
      tpu.yield
    }) : () -> ()
    %eq3A_27 = arith.constant 0 : i32
    %eq3A_28 = arith.cmpi eq, %arg0, %eq3A_27 : i32
    %convert_element_type3A_29 = arith.extui %eq3A_28 : i1 to i32
    %cond3A_30 = arith.constant 0 : i32
    %cond3A_31 = arith.cmpi ne, %convert_element_type3A_29, %cond3A_30 : i32
    scf.if %cond3A_31 {
      %dma_start3A = arith.constant 0 : i32
      %dma_start3A_48 = arith.constant 0 : i32
      %dma_start3A_49 = tpu.memref_slice %arg9[%dma_start3A, %dma_start3A_48] : memref<128x64xf32, #tpu.memory_space<vmem>> -> memref<32x64xf32, #tpu.memory_space<vmem>>
      %dma_start3A_50 = arith.constant 0 : i32
      %dma_start3A_51 = tpu.memref_slice %arg7[%dma_start3A_50] : memref<128xi32, #tpu.memory_space<vmem>> -> memref<32xi32, #tpu.memory_space<vmem>>
      %dma_start3A_52 = arith.constant 0 : i32
      %dma_start3A_53 = arith.constant 0 : i32
      %dma_start3A_54 = tpu.memref_slice %arg2[%dma_start3A_52, %dma_start3A_53] : memref<10000x64xf32, #tpu.memory_space<hbm>> -> memref<10000x64xf32, #tpu.memory_space<hbm>>
      tpu.enqueue_indirect_dma source(%dma_start3A_54 : memref<10000x64xf32, #tpu.memory_space<hbm>>) target(%dma_start3A_49 : memref<32x64xf32, #tpu.memory_space<vmem>>) offsets(%dma_start3A_51 : memref<32xi32, #tpu.memory_space<vmem>>) semaphore(%arg12 : memref<!tpu.dma_semaphore, #tpu.memory_space<semaphore_mem>>)
      %dma_wait3A = arith.constant 0 : i32
      %dma_wait3A_55 = arith.constant 0 : i32
      %dma_wait3A_56 = tpu.memref_slice %arg9[%dma_wait3A, %dma_wait3A_55] : memref<128x64xf32, #tpu.memory_space<vmem>> -> memref<32x64xf32, #tpu.memory_space<vmem>>
      %dma_wait3A_57 = arith.constant 0 : i32
      %dma_wait3A_58 = tpu.memref_slice %arg7[%dma_wait3A_57] : memref<128xi32, #tpu.memory_space<vmem>> -> memref<32xi32, #tpu.memory_space<vmem>>
      %dma_wait3A_59 = arith.constant 0 : i32
      %dma_wait3A_60 = arith.constant 0 : i32
      %dma_wait3A_61 = tpu.memref_slice %arg2[%dma_wait3A_59, %dma_wait3A_60] : memref<10000x64xf32, #tpu.memory_space<hbm>> -> memref<10000x64xf32, #tpu.memory_space<hbm>>
      tpu.wait_indirect_dma semaphore(%arg12 : memref<!tpu.dma_semaphore, #tpu.memory_space<semaphore_mem>>) src(%dma_wait3A_61 : memref<10000x64xf32, #tpu.memory_space<hbm>>) dst(%dma_wait3A_56 : memref<32x64xf32, #tpu.memory_space<vmem>>)
    } else {
    }
    %eq3A_32 = arith.constant 1 : i32
    %eq3A_33 = arith.cmpi eq, %arg0, %eq3A_32 : i32
    %convert_element_type3A_34 = arith.extui %eq3A_33 : i1 to i32
    %cond3A_35 = arith.constant 0 : i32
    %cond3A_36 = arith.cmpi ne, %convert_element_type3A_34, %cond3A_35 : i32
    scf.if %cond3A_36 {
      %dma_start3A = arith.constant 0 : i32
      %dma_start3A_48 = arith.constant 0 : i32
      %dma_start3A_49 = tpu.memref_slice %arg9[%dma_start3A, %dma_start3A_48] : memref<128x64xf32, #tpu.memory_space<vmem>> -> memref<32x64xf32, #tpu.memory_space<vmem>>
      %dma_start3A_50 = arith.constant 0 : i32
      %dma_start3A_51 = tpu.memref_slice %arg7[%dma_start3A_50] : memref<128xi32, #tpu.memory_space<vmem>> -> memref<32xi32, #tpu.memory_space<vmem>>
      %dma_start3A_52 = arith.constant 0 : i32
      %dma_start3A_53 = arith.constant 0 : i32
      %dma_start3A_54 = tpu.memref_slice %arg3[%dma_start3A_52, %dma_start3A_53] : memref<10000x64xf32, #tpu.memory_space<hbm>> -> memref<10000x64xf32, #tpu.memory_space<hbm>>
      tpu.enqueue_indirect_dma source(%dma_start3A_54 : memref<10000x64xf32, #tpu.memory_space<hbm>>) target(%dma_start3A_49 : memref<32x64xf32, #tpu.memory_space<vmem>>) offsets(%dma_start3A_51 : memref<32xi32, #tpu.memory_space<vmem>>) semaphore(%arg12 : memref<!tpu.dma_semaphore, #tpu.memory_space<semaphore_mem>>)
      %dma_wait3A = arith.constant 0 : i32
      %dma_wait3A_55 = arith.constant 0 : i32
      %dma_wait3A_56 = tpu.memref_slice %arg9[%dma_wait3A, %dma_wait3A_55] : memref<128x64xf32, #tpu.memory_space<vmem>> -> memref<32x64xf32, #tpu.memory_space<vmem>>
      %dma_wait3A_57 = arith.constant 0 : i32
      %dma_wait3A_58 = tpu.memref_slice %arg7[%dma_wait3A_57] : memref<128xi32, #tpu.memory_space<vmem>> -> memref<32xi32, #tpu.memory_space<vmem>>
      %dma_wait3A_59 = arith.constant 0 : i32
      %dma_wait3A_60 = arith.constant 0 : i32
      %dma_wait3A_61 = tpu.memref_slice %arg3[%dma_wait3A_59, %dma_wait3A_60] : memref<10000x64xf32, #tpu.memory_space<hbm>> -> memref<10000x64xf32, #tpu.memory_space<hbm>>
      tpu.wait_indirect_dma semaphore(%arg12 : memref<!tpu.dma_semaphore, #tpu.memory_space<semaphore_mem>>) src(%dma_wait3A_61 : memref<10000x64xf32, #tpu.memory_space<hbm>>) dst(%dma_wait3A_56 : memref<32x64xf32, #tpu.memory_space<vmem>>)
    } else {
    }
    "tpu.region"() ({
      %run_scoped3A = tpu.sem_alloc : memref<!tpu.dma_semaphore, #tpu.memory_space<semaphore_mem>>
      %dma_start3A = arith.constant 0 : i32
      %dma_start3A_48 = arith.constant 0 : i32
      %dma_start3A_49 = tpu.memref_slice %arg9[%dma_start3A, %dma_start3A_48] : memref<128x64xf32, #tpu.memory_space<vmem>> -> memref<32x64xf32, #tpu.memory_space<vmem>>
      %dma_start3A_50 = arith.constant 0 : i32
      %dma_start3A_51 = tpu.memref_slice %arg8[%dma_start3A_50] : memref<128xi32, #tpu.memory_space<vmem>> -> memref<32xi32, #tpu.memory_space<vmem>>
      %dma_start3A_52 = arith.constant 0 : i32
      %dma_start3A_53 = arith.constant 0 : i32
      %dma_start3A_54 = tpu.memref_slice %arg11[%dma_start3A_52, %dma_start3A_53] : memref<10000x64xf32, #tpu.memory_space<vmem_shared>> -> memref<10000x64xf32, #tpu.memory_space<vmem_shared>>
      tpu.enqueue_indirect_dma source(%dma_start3A_49 : memref<32x64xf32, #tpu.memory_space<vmem>>) target(%dma_start3A_54 : memref<10000x64xf32, #tpu.memory_space<vmem_shared>>) offsets(%dma_start3A_51 : memref<32xi32, #tpu.memory_space<vmem>>) semaphore(%run_scoped3A : memref<!tpu.dma_semaphore, #tpu.memory_space<semaphore_mem>>) {add = true}
      %dma_wait3A = arith.constant 0 : i32
      %dma_wait3A_55 = arith.constant 0 : i32
      %dma_wait3A_56 = tpu.memref_slice %arg9[%dma_wait3A, %dma_wait3A_55] : memref<128x64xf32, #tpu.memory_space<vmem>> -> memref<32x64xf32, #tpu.memory_space<vmem>>
      %dma_wait3A_57 = arith.constant 0 : i32
      %dma_wait3A_58 = tpu.memref_slice %arg8[%dma_wait3A_57] : memref<128xi32, #tpu.memory_space<vmem>> -> memref<32xi32, #tpu.memory_space<vmem>>
      %dma_wait3A_59 = arith.constant 0 : i32
      %dma_wait3A_60 = arith.constant 0 : i32
      %dma_wait3A_61 = tpu.memref_slice %arg11[%dma_wait3A_59, %dma_wait3A_60] : memref<10000x64xf32, #tpu.memory_space<vmem_shared>> -> memref<10000x64xf32, #tpu.memory_space<vmem_shared>>
      tpu.wait_indirect_dma semaphore(%run_scoped3A : memref<!tpu.dma_semaphore, #tpu.memory_space<semaphore_mem>>) src(%dma_wait3A_56 : memref<32x64xf32, #tpu.memory_space<vmem>>) dst(%dma_wait3A_61 : memref<10000x64xf32, #tpu.memory_space<vmem_shared>>)
      tpu.yield
    }) : () -> ()
    %barrier3A_37 = arith.constant 0 : index
    tpu.barrier barrier_id(%barrier3A_37)
    %lt3A_38 = arith.constant 15 : i32
    %lt3A_39 = arith.cmpi slt, %arg1, %lt3A_38 : i32
    %convert_element_type3A_40 = arith.extui %lt3A_39 : i1 to i32
    %cond3A_41 = arith.constant 0 : i32
    %cond3A_42 = arith.cmpi ne, %convert_element_type3A_40, %cond3A_41 : i32
    scf.if %cond3A_42 {
      "tpu.region"() ({
        %run_scoped3A = tpu.sem_alloc : memref<!tpu.dma_semaphore, #tpu.memory_space<semaphore_mem>>
        %dma_start3A = arith.constant 0 : i32
        %dma_start3A_48 = tpu.memref_slice %arg6[%arg0, %mul3A_10, %dma_start3A] : memref<2x10000x64xf32, #tpu.memory_space<hbm>> -> memref<1x632x64xf32, #tpu.memory_space<hbm>>
        %dma_start3A_49 = tpu.memref_squeeze %dma_start3A_48 : memref<1x632x64xf32, #tpu.memory_space<hbm>> -> memref<632x64xf32, #tpu.memory_space<hbm>>
        %dma_start3A_50 = arith.constant 0 : i32
        %dma_start3A_51 = tpu.memref_slice %arg11[%mul3A_10, %dma_start3A_50] : memref<10000x64xf32, #tpu.memory_space<vmem_shared>> -> memref<632x64xf32, #tpu.memory_space<vmem_shared>>
        tpu.enqueue_dma source(%dma_start3A_51 : memref<632x64xf32, #tpu.memory_space<vmem_shared>>) target(%dma_start3A_49 : memref<632x64xf32, #tpu.memory_space<hbm>>) target_semaphore(%run_scoped3A : memref<!tpu.dma_semaphore, #tpu.memory_space<semaphore_mem>>)
        %dma_wait3A = arith.constant 0 : i32
        %dma_wait3A_52 = tpu.memref_slice %arg6[%arg0, %mul3A_10, %dma_wait3A] : memref<2x10000x64xf32, #tpu.memory_space<hbm>> -> memref<1x632x64xf32, #tpu.memory_space<hbm>>
        %dma_wait3A_53 = tpu.memref_squeeze %dma_wait3A_52 : memref<1x632x64xf32, #tpu.memory_space<hbm>> -> memref<632x64xf32, #tpu.memory_space<hbm>>
        %dma_wait3A_54 = arith.constant 0 : i32
        %dma_wait3A_55 = tpu.memref_slice %arg11[%mul3A_10, %dma_wait3A_54] : memref<10000x64xf32, #tpu.memory_space<vmem_shared>> -> memref<632x64xf32, #tpu.memory_space<vmem_shared>>
        tpu.wait_dma2 semaphore(%run_scoped3A : memref<!tpu.dma_semaphore, #tpu.memory_space<semaphore_mem>>) src(%dma_wait3A_55 : memref<632x64xf32, #tpu.memory_space<vmem_shared>>) dst(%dma_wait3A_53 : memref<632x64xf32, #tpu.memory_space<hbm>>)
        tpu.yield
      }) : () -> ()
    } else {
    }
    %eq3A_43 = arith.constant 15 : i32
    %eq3A_44 = arith.cmpi eq, %arg1, %eq3A_43 : i32
    %convert_element_type3A_45 = arith.extui %eq3A_44 : i1 to i32
    %cond3A_46 = arith.constant 0 : i32
    %cond3A_47 = arith.cmpi ne, %convert_element_type3A_45, %cond3A_46 : i32
    scf.if %cond3A_47 {
      "tpu.region"() ({
        %run_scoped3A = tpu.sem_alloc : memref<!tpu.dma_semaphore, #tpu.memory_space<semaphore_mem>>
        %dma_start3A = arith.constant 9480 : i32
        %dma_start3A_48 = arith.constant 0 : i32
        %dma_start3A_49 = tpu.memref_slice %arg6[%arg0, %dma_start3A, %dma_start3A_48] : memref<2x10000x64xf32, #tpu.memory_space<hbm>> -> memref<1x520x64xf32, #tpu.memory_space<hbm>>
        %dma_start3A_50 = tpu.memref_squeeze %dma_start3A_49 : memref<1x520x64xf32, #tpu.memory_space<hbm>> -> memref<520x64xf32, #tpu.memory_space<hbm>>
        %dma_start3A_51 = arith.constant 9480 : i32
        %dma_start3A_52 = arith.constant 0 : i32
        %dma_start3A_53 = tpu.memref_slice %arg11[%dma_start3A_51, %dma_start3A_52] : memref<10000x64xf32, #tpu.memory_space<vmem_shared>> -> memref<520x64xf32, #tpu.memory_space<vmem_shared>>
        tpu.enqueue_dma source(%dma_start3A_53 : memref<520x64xf32, #tpu.memory_space<vmem_shared>>) target(%dma_start3A_50 : memref<520x64xf32, #tpu.memory_space<hbm>>) target_semaphore(%run_scoped3A : memref<!tpu.dma_semaphore, #tpu.memory_space<semaphore_mem>>)
        %dma_wait3A = arith.constant 9480 : i32
        %dma_wait3A_54 = arith.constant 0 : i32
        %dma_wait3A_55 = tpu.memref_slice %arg6[%arg0, %dma_wait3A, %dma_wait3A_54] : memref<2x10000x64xf32, #tpu.memory_space<hbm>> -> memref<1x520x64xf32, #tpu.memory_space<hbm>>
        %dma_wait3A_56 = tpu.memref_squeeze %dma_wait3A_55 : memref<1x520x64xf32, #tpu.memory_space<hbm>> -> memref<520x64xf32, #tpu.memory_space<hbm>>
        %dma_wait3A_57 = arith.constant 9480 : i32
        %dma_wait3A_58 = arith.constant 0 : i32
        %dma_wait3A_59 = tpu.memref_slice %arg11[%dma_wait3A_57, %dma_wait3A_58] : memref<10000x64xf32, #tpu.memory_space<vmem_shared>> -> memref<520x64xf32, #tpu.memory_space<vmem_shared>>
        tpu.wait_dma2 semaphore(%run_scoped3A : memref<!tpu.dma_semaphore, #tpu.memory_space<semaphore_mem>>) src(%dma_wait3A_59 : memref<520x64xf32, #tpu.memory_space<vmem_shared>>) dst(%dma_wait3A_56 : memref<520x64xf32, #tpu.memory_space<hbm>>)
        tpu.yield
      }) : () -> ()
    } else {
    }
    return
  }
}

module attributes {stable_mosaic.version = 14 : i64} {
  func.func @body(%arg0: i32, %arg1: memref<2x1000x64xf32, #tpu.memory_space<vmem>>, %arg2: memref<1000x32xf32, #tpu.memory_space<vmem>>, %arg3: memref<1000x128xf32, #tpu.memory_space<vmem>>, %arg4: memref<128x128xf32, #tpu.memory_space<vmem>>, %arg5: memref<128x128xf32, #tpu.memory_space<vmem>>, %arg6: memref<1x128xf32, #tpu.memory_space<vmem>>, %arg7: memref<1000x64xf32, #tpu.memory_space<vmem>>, %arg8: memref<1000x64xf32, #tpu.memory_space<vmem>>, %arg9: memref<1000x1xf32, #tpu.memory_space<vmem>>) attributes {dimension_semantics = [#tpu.dimension_semantics<arbitrary>], iteration_bounds = array<i64: 10>, scalar_prefetch = 0 : i64, scratch_operands = 0 : i64, tpu.core_type = #tpu.core_type<tc>, window_params = [{transform_indices = @transform_0, window_bounds = array<i64: 2, 1000, 64>}, {transform_indices = @transform_1, window_bounds = array<i64: 1000, 32>}, {transform_indices = @transform_2, window_bounds = array<i64: 1000, 128>}, {pipeline_mode = #tpu.pipeline_mode<synchronous>, transform_indices = @transform_3, window_bounds = array<i64: 128, 128>}, {pipeline_mode = #tpu.pipeline_mode<synchronous>, transform_indices = @transform_4, window_bounds = array<i64: 128, 128>}, {pipeline_mode = #tpu.pipeline_mode<synchronous>, transform_indices = @transform_5, window_bounds = array<i64: 1, 128>}, {transform_indices = @transform_6, window_bounds = array<i64: 1000, 64>}, {transform_indices = @transform_7, window_bounds = array<i64: 1000, 64>}, {transform_indices = @transform_8, window_bounds = array<i64: 1000, 1>}]} {
    %broadcast_in_dim3A = arith.constant 1.000000e+00 : f32
    %broadcast_in_dim3A_0 = vector.broadcast %broadcast_in_dim3A : f32 to vector<32x1xf32>
    %get3A = arith.constant 0 : index
    %get3A_1 = arith.constant 0 : index
    %get3A_2 = vector.load %arg2[%get3A, %get3A_1] : memref<1000x32xf32, #tpu.memory_space<vmem>>, vector<1000x32xf32>
    %dot_general3A = arith.constant dense<0.000000e+00> : vector<1000x1xf32>
    %dot_general3A_3 = tpu.matmul %get3A_2, %broadcast_in_dim3A_0, %dot_general3A {dimension_numbers = #tpu.dot_dimension_numbers<[1], [0], [0], [1], [0, 0, 1, 1], [], []>, transpose_lhs_hint = false} : vector<1000x32xf32>, vector<32x1xf32>, vector<1000x1xf32> -> vector<1000x1xf32>
    %mul3A = arith.constant 5.000000e-01 : f32
    %mul3A_4 = vector.broadcast %mul3A : f32 to vector<1000x1xf32>
    %mul3A_5 = arith.mulf %dot_general3A_3, %mul3A_4 : vector<1000x1xf32>
    %max3A = arith.constant 1.000000e+00 : f32
    %max3A_6 = vector.broadcast %max3A : f32 to vector<1000x1xf32>
    %max3A_7 = arith.maximumf %mul3A_5, %max3A_6 : vector<1000x1xf32>
    %swap3A = arith.constant 0 : index
    %swap3A_8 = arith.constant 0 : index
    %swap3A_9 = vector.load %arg9[%swap3A, %swap3A_8] : memref<1000x1xf32, #tpu.memory_space<vmem>>, vector<1000x1xf32>
    tpu.vector_store %arg9[%swap3A, %swap3A_8], %max3A_7 {strides = array<i32>} : memref<1000x1xf32, #tpu.memory_space<vmem>>, vector<1000x1xf32>,
    %get3A_10 = arith.constant 0 : index
    %get3A_11 = arith.constant 0 : index
    %get3A_12 = arith.constant 0 : index
    %get3A_13 = vector.load %arg1[%get3A_10, %get3A_11, %get3A_12] : memref<2x1000x64xf32, #tpu.memory_space<vmem>>, vector<1x1000x64xf32>
    %get3A_14 = vector.shape_cast %get3A_13 : vector<1x1000x64xf32> to vector<1000x64xf32>
    %get3A_15 = arith.constant 1 : index
    %get3A_16 = arith.constant 0 : index
    %get3A_17 = arith.constant 0 : index
    %get3A_18 = vector.load %arg1[%get3A_15, %get3A_16, %get3A_17] : memref<2x1000x64xf32, #tpu.memory_space<vmem>>, vector<1x1000x64xf32>
    %get3A_19 = vector.shape_cast %get3A_18 : vector<1x1000x64xf32> to vector<1000x64xf32>
    %concatenate3A = tpu.concatenate %get3A_14, %get3A_19 in 1 : vector<1000x64xf32>, vector<1000x64xf32> -> vector<1000x128xf32>
    %div3A = arith.constant 1.000000e+00 : f32
    %div3A_20 = vector.broadcast %div3A : f32 to vector<1000x1xf32>
    %div3A_21 = arith.divf %div3A_20, %max3A_7 : vector<1000x1xf32>
    %mul3A_22 = vector.broadcast %div3A_21 : vector<1000x1xf32> to vector<1000x128xf32>
    %mul3A_23 = arith.mulf %concatenate3A, %mul3A_22 : vector<1000x128xf32>
    %get3A_24 = arith.constant 0 : index
    %get3A_25 = arith.constant 0 : index
    %get3A_26 = vector.load %arg4[%get3A_24, %get3A_25] : memref<128x128xf32, #tpu.memory_space<vmem>>, vector<128x128xf32>
    %dot_general3A_27 = arith.constant dense<0.000000e+00> : vector<1000x128xf32>
    %dot_general3A_28 = tpu.matmul %mul3A_23, %get3A_26, %dot_general3A_27 {dimension_numbers = #tpu.dot_dimension_numbers<[1], [0], [0], [1], [0, 0, 1, 1], [], []>, transpose_lhs_hint = false} : vector<1000x128xf32>, vector<128x128xf32>, vector<1000x128xf32> -> vector<1000x128xf32>
    %get3A_29 = arith.constant 0 : index
    %get3A_30 = arith.constant 0 : index
    %get3A_31 = vector.load %arg3[%get3A_29, %get3A_30] : memref<1000x128xf32, #tpu.memory_space<vmem>>, vector<1000x128xf32>
    %get3A_32 = arith.constant 0 : index
    %get3A_33 = arith.constant 0 : index
    %get3A_34 = vector.load %arg5[%get3A_32, %get3A_33] : memref<128x128xf32, #tpu.memory_space<vmem>>, vector<128x128xf32>
    %dot_general3A_35 = arith.constant dense<0.000000e+00> : vector<1000x128xf32>
    %dot_general3A_36 = tpu.matmul %get3A_31, %get3A_34, %dot_general3A_35 {dimension_numbers = #tpu.dot_dimension_numbers<[1], [0], [0], [1], [0, 0, 1, 1], [], []>, transpose_lhs_hint = false} : vector<1000x128xf32>, vector<128x128xf32>, vector<1000x128xf32> -> vector<1000x128xf32>
    %add3A = arith.addf %dot_general3A_28, %dot_general3A_36 : vector<1000x128xf32>
    %get3A_37 = arith.constant 0 : index
    %get3A_38 = arith.constant 0 : index
    %get3A_39 = vector.load %arg6[%get3A_37, %get3A_38] : memref<1x128xf32, #tpu.memory_space<vmem>>, vector<1x128xf32>
    %add3A_40 = vector.broadcast %get3A_39 : vector<1x128xf32> to vector<1000x128xf32>
    %add3A_41 = arith.addf %add3A, %add3A_40 : vector<1000x128xf32>
    %slice3A = vector.extract_strided_slice %add3A_41 {offsets = [0, 0], sizes = [1000, 64], strides = [1, 1]} : vector<1000x128xf32> to vector<1000x64xf32>
    %swap3A_42 = arith.constant 0 : index
    %swap3A_43 = arith.constant 0 : index
    %swap3A_44 = vector.load %arg7[%swap3A_42, %swap3A_43] : memref<1000x64xf32, #tpu.memory_space<vmem>>, vector<1000x64xf32>
    tpu.vector_store %arg7[%swap3A_42, %swap3A_43], %slice3A {strides = array<i32>} : memref<1000x64xf32, #tpu.memory_space<vmem>>, vector<1000x64xf32>,
    %slice3A_45 = vector.extract_strided_slice %add3A_41 {offsets = [0, 64], sizes = [1000, 64], strides = [1, 1]} : vector<1000x128xf32> to vector<1000x64xf32>
    %swap3A_46 = arith.constant 0 : index
    %swap3A_47 = arith.constant 0 : index
    %swap3A_48 = vector.load %arg8[%swap3A_46, %swap3A_47] : memref<1000x64xf32, #tpu.memory_space<vmem>>, vector<1000x64xf32>
    tpu.vector_store %arg8[%swap3A_46, %swap3A_47], %slice3A_45 {strides = array<i32>} : memref<1000x64xf32, #tpu.memory_space<vmem>>, vector<1000x64xf32>,
    return
  }
  func.func @transform_0(%arg0: i32) -> (i32, i32, i32) {
    %c0_i32 = arith.constant 0 : i32
    %c0_i32_0 = arith.constant 0 : i32
    %c0_i32_1 = arith.constant 0 : i32
    return %c0_i32, %arg0, %c0_i32_0 : i32, i32, i32
  }
  func.func @transform_1(%arg0: i32) -> (i32, i32) {
    %c0_i32 = arith.constant 0 : i32
    %c0_i32_0 = arith.constant 0 : i32
    return %arg0, %c0_i32 : i32, i32
  }
  func.func @transform_2(%arg0: i32) -> (i32, i32) {
    %c0_i32 = arith.constant 0 : i32
    %c0_i32_0 = arith.constant 0 : i32
    return %arg0, %c0_i32 : i32, i32
  }
  func.func @transform_3(%arg0: i32) -> (i32, i32) {
    %c0_i32 = arith.constant 0 : i32
    %c0_i32_0 = arith.constant 0 : i32
    %c0_i32_1 = arith.constant 0 : i32
    return %c0_i32, %c0_i32_0 : i32, i32
  }
  func.func @transform_4(%arg0: i32) -> (i32, i32) {
    %c0_i32 = arith.constant 0 : i32
    %c0_i32_0 = arith.constant 0 : i32
    %c0_i32_1 = arith.constant 0 : i32
    return %c0_i32, %c0_i32_0 : i32, i32
  }
  func.func @transform_5(%arg0: i32) -> (i32, i32) {
    %c0_i32 = arith.constant 0 : i32
    %c0_i32_0 = arith.constant 0 : i32
    %c0_i32_1 = arith.constant 0 : i32
    return %c0_i32, %c0_i32_0 : i32, i32
  }
  func.func @transform_6(%arg0: i32) -> (i32, i32) {
    %c0_i32 = arith.constant 0 : i32
    %c0_i32_0 = arith.constant 0 : i32
    return %arg0, %c0_i32 : i32, i32
  }
  func.func @transform_7(%arg0: i32) -> (i32, i32) {
    %c0_i32 = arith.constant 0 : i32
    %c0_i32_0 = arith.constant 0 : i32
    return %arg0, %c0_i32 : i32, i32
  }
  func.func @transform_8(%arg0: i32) -> (i32, i32) {
    %c0_i32 = arith.constant 0 : i32
    %c0_i32_0 = arith.constant 0 : i32
    return %arg0, %c0_i32 : i32, i32
  }
}

module attributes {stable_mosaic.version = 14 : i64} {
  func.func @body(%arg0: i32, %arg1: memref<2x1000x64xf32, #tpu.memory_space<vmem>>, %arg2: memref<1000x1xf32, #tpu.memory_space<vmem>>, %arg3: memref<1000x64xf32, #tpu.memory_space<vmem>>, %arg4: memref<1000x64xf32, #tpu.memory_space<vmem>>, %arg5: memref<128x128xf32, #tpu.memory_space<vmem>>, %arg6: memref<128x128xf32, #tpu.memory_space<vmem>>, %arg7: memref<1x128xf32, #tpu.memory_space<vmem>>, %arg8: memref<1000x64xf32, #tpu.memory_space<vmem>>, %arg9: memref<1000x64xf32, #tpu.memory_space<vmem>>) attributes {dimension_semantics = [#tpu.dimension_semantics<arbitrary>], iteration_bounds = array<i64: 10>, scalar_prefetch = 0 : i64, scratch_operands = 0 : i64, tpu.core_type = #tpu.core_type<tc>, window_params = [{transform_indices = @transform_0, window_bounds = array<i64: 2, 1000, 64>}, {transform_indices = @transform_1, window_bounds = array<i64: 1000, 1>}, {transform_indices = @transform_2, window_bounds = array<i64: 1000, 64>}, {transform_indices = @transform_3, window_bounds = array<i64: 1000, 64>}, {pipeline_mode = #tpu.pipeline_mode<synchronous>, transform_indices = @transform_4, window_bounds = array<i64: 128, 128>}, {pipeline_mode = #tpu.pipeline_mode<synchronous>, transform_indices = @transform_5, window_bounds = array<i64: 128, 128>}, {pipeline_mode = #tpu.pipeline_mode<synchronous>, transform_indices = @transform_6, window_bounds = array<i64: 1, 128>}, {transform_indices = @transform_7, window_bounds = array<i64: 1000, 64>}, {transform_indices = @transform_8, window_bounds = array<i64: 1000, 64>}]} {
    %get3A = arith.constant 0 : index
    %get3A_0 = arith.constant 0 : index
    %get3A_1 = arith.constant 0 : index
    %get3A_2 = vector.load %arg1[%get3A, %get3A_0, %get3A_1] : memref<2x1000x64xf32, #tpu.memory_space<vmem>>, vector<1x1000x64xf32>
    %get3A_3 = vector.shape_cast %get3A_2 : vector<1x1000x64xf32> to vector<1000x64xf32>
    %get3A_4 = arith.constant 1 : index
    %get3A_5 = arith.constant 0 : index
    %get3A_6 = arith.constant 0 : index
    %get3A_7 = vector.load %arg1[%get3A_4, %get3A_5, %get3A_6] : memref<2x1000x64xf32, #tpu.memory_space<vmem>>, vector<1x1000x64xf32>
    %get3A_8 = vector.shape_cast %get3A_7 : vector<1x1000x64xf32> to vector<1000x64xf32>
    %concatenate3A = tpu.concatenate %get3A_3, %get3A_8 in 1 : vector<1000x64xf32>, vector<1000x64xf32> -> vector<1000x128xf32>
    %get3A_9 = arith.constant 0 : index
    %get3A_10 = arith.constant 0 : index
    %get3A_11 = vector.load %arg2[%get3A_9, %get3A_10] : memref<1000x1xf32, #tpu.memory_space<vmem>>, vector<1000x1xf32>
    %div3A = vector.broadcast %get3A_11 : vector<1000x1xf32> to vector<1000x128xf32>
    %div3A_12 = arith.divf %concatenate3A, %div3A : vector<1000x128xf32>
    %get3A_13 = arith.constant 0 : index
    %get3A_14 = arith.constant 0 : index
    %get3A_15 = vector.load %arg3[%get3A_13, %get3A_14] : memref<1000x64xf32, #tpu.memory_space<vmem>>, vector<1000x64xf32>
    %get3A_16 = arith.constant 0 : index
    %get3A_17 = arith.constant 0 : index
    %get3A_18 = vector.load %arg4[%get3A_16, %get3A_17] : memref<1000x64xf32, #tpu.memory_space<vmem>>, vector<1000x64xf32>
    %concatenate3A_19 = tpu.concatenate %get3A_15, %get3A_18 in 1 : vector<1000x64xf32>, vector<1000x64xf32> -> vector<1000x128xf32>
    %get3A_20 = arith.constant 0 : index
    %get3A_21 = arith.constant 0 : index
    %get3A_22 = vector.load %arg5[%get3A_20, %get3A_21] : memref<128x128xf32, #tpu.memory_space<vmem>>, vector<128x128xf32>
    %dot_general3A = arith.constant dense<0.000000e+00> : vector<1000x128xf32>
    %dot_general3A_23 = tpu.matmul %div3A_12, %get3A_22, %dot_general3A {dimension_numbers = #tpu.dot_dimension_numbers<[1], [0], [0], [1], [0, 0, 1, 1], [], []>, transpose_lhs_hint = false} : vector<1000x128xf32>, vector<128x128xf32>, vector<1000x128xf32> -> vector<1000x128xf32>
    %get3A_24 = arith.constant 0 : index
    %get3A_25 = arith.constant 0 : index
    %get3A_26 = vector.load %arg6[%get3A_24, %get3A_25] : memref<128x128xf32, #tpu.memory_space<vmem>>, vector<128x128xf32>
    %dot_general3A_27 = arith.constant dense<0.000000e+00> : vector<1000x128xf32>
    %dot_general3A_28 = tpu.matmul %concatenate3A_19, %get3A_26, %dot_general3A_27 {dimension_numbers = #tpu.dot_dimension_numbers<[1], [0], [0], [1], [0, 0, 1, 1], [], []>, transpose_lhs_hint = false} : vector<1000x128xf32>, vector<128x128xf32>, vector<1000x128xf32> -> vector<1000x128xf32>
    %add3A = arith.addf %dot_general3A_23, %dot_general3A_28 : vector<1000x128xf32>
    %get3A_29 = arith.constant 0 : index
    %get3A_30 = arith.constant 0 : index
    %get3A_31 = vector.load %arg7[%get3A_29, %get3A_30] : memref<1x128xf32, #tpu.memory_space<vmem>>, vector<1x128xf32>
    %add3A_32 = vector.broadcast %get3A_31 : vector<1x128xf32> to vector<1000x128xf32>
    %add3A_33 = arith.addf %add3A, %add3A_32 : vector<1000x128xf32>
    %slice3A = vector.extract_strided_slice %add3A_33 {offsets = [0, 0], sizes = [1000, 64], strides = [1, 1]} : vector<1000x128xf32> to vector<1000x64xf32>
    %swap3A = arith.constant 0 : index
    %swap3A_34 = arith.constant 0 : index
    %swap3A_35 = vector.load %arg8[%swap3A, %swap3A_34] : memref<1000x64xf32, #tpu.memory_space<vmem>>, vector<1000x64xf32>
    tpu.vector_store %arg8[%swap3A, %swap3A_34], %slice3A {strides = array<i32>} : memref<1000x64xf32, #tpu.memory_space<vmem>>, vector<1000x64xf32>,
    %slice3A_36 = vector.extract_strided_slice %add3A_33 {offsets = [0, 64], sizes = [1000, 64], strides = [1, 1]} : vector<1000x128xf32> to vector<1000x64xf32>
    %swap3A_37 = arith.constant 0 : index
    %swap3A_38 = arith.constant 0 : index
    %swap3A_39 = vector.load %arg9[%swap3A_37, %swap3A_38] : memref<1000x64xf32, #tpu.memory_space<vmem>>, vector<1000x64xf32>
    tpu.vector_store %arg9[%swap3A_37, %swap3A_38], %slice3A_36 {strides = array<i32>} : memref<1000x64xf32, #tpu.memory_space<vmem>>, vector<1000x64xf32>,
    return
  }
  func.func @transform_0(%arg0: i32) -> (i32, i32, i32) {
    %c0_i32 = arith.constant 0 : i32
    %c0_i32_0 = arith.constant 0 : i32
    %c0_i32_1 = arith.constant 0 : i32
    return %c0_i32, %arg0, %c0_i32_0 : i32, i32, i32
  }
  func.func @transform_1(%arg0: i32) -> (i32, i32) {
    %c0_i32 = arith.constant 0 : i32
    %c0_i32_0 = arith.constant 0 : i32
    return %arg0, %c0_i32 : i32, i32
  }
  func.func @transform_2(%arg0: i32) -> (i32, i32) {
    %c0_i32 = arith.constant 0 : i32
    %c0_i32_0 = arith.constant 0 : i32
    return %arg0, %c0_i32 : i32, i32
  }
  func.func @transform_3(%arg0: i32) -> (i32, i32) {
    %c0_i32 = arith.constant 0 : i32
    %c0_i32_0 = arith.constant 0 : i32
    return %arg0, %c0_i32 : i32, i32
  }
  func.func @transform_4(%arg0: i32) -> (i32, i32) {
    %c0_i32 = arith.constant 0 : i32
    %c0_i32_0 = arith.constant 0 : i32
    %c0_i32_1 = arith.constant 0 : i32
    return %c0_i32, %c0_i32_0 : i32, i32
  }
  func.func @transform_5(%arg0: i32) -> (i32, i32) {
    %c0_i32 = arith.constant 0 : i32
    %c0_i32_0 = arith.constant 0 : i32
    %c0_i32_1 = arith.constant 0 : i32
    return %c0_i32, %c0_i32_0 : i32, i32
  }
  func.func @transform_6(%arg0: i32) -> (i32, i32) {
    %c0_i32 = arith.constant 0 : i32
    %c0_i32_0 = arith.constant 0 : i32
    %c0_i32_1 = arith.constant 0 : i32
    return %c0_i32, %c0_i32_0 : i32, i32
  }
  func.func @transform_7(%arg0: i32) -> (i32, i32) {
    %c0_i32 = arith.constant 0 : i32
    %c0_i32_0 = arith.constant 0 : i32
    return %arg0, %c0_i32 : i32, i32
  }
  func.func @transform_8(%arg0: i32) -> (i32, i32) {
    %c0_i32 = arith.constant 0 : i32
    %c0_i32_0 = arith.constant 0 : i32
    return %arg0, %c0_i32 : i32, i32
  }
}

module attributes {stable_mosaic.version = 14 : i64} {
  func.func @body(%arg0: i32, %arg1: memref<1000x64xf32, #tpu.memory_space<vmem>>, %arg2: memref<1000x64xf32, #tpu.memory_space<vmem>>, %arg3: memref<1000x64xf32, #tpu.memory_space<vmem>>, %arg4: memref<1000x64xf32, #tpu.memory_space<vmem>>, %arg5: memref<1000x64xf32, #tpu.memory_space<vmem>>, %arg6: memref<1000x64xf32, #tpu.memory_space<vmem>>, %arg7: memref<1000x1xi32, #tpu.memory_space<vmem>>, %arg8: memref<384x10xf32, #tpu.memory_space<vmem>>, %arg9: memref<1x10xf32, #tpu.memory_space<vmem>>, %arg10: memref<16x10xf32, #tpu.memory_space<vmem>>, %arg11: memref<16x384xf32, #tpu.memory_space<vmem>>, %arg12: memref<16x1xf32, #tpu.memory_space<vmem>>) attributes {dimension_semantics = [#tpu.dimension_semantics<arbitrary>], iteration_bounds = array<i64: 10>, scalar_prefetch = 0 : i64, scratch_operands = 2 : i64, tpu.core_type = #tpu.core_type<tc>, window_params = [{transform_indices = @transform_0, window_bounds = array<i64: 1000, 64>}, {transform_indices = @transform_1, window_bounds = array<i64: 1000, 64>}, {transform_indices = @transform_2, window_bounds = array<i64: 1000, 64>}, {transform_indices = @transform_3, window_bounds = array<i64: 1000, 64>}, {transform_indices = @transform_4, window_bounds = array<i64: 1000, 64>}, {transform_indices = @transform_5, window_bounds = array<i64: 1000, 64>}, {transform_indices = @transform_6, window_bounds = array<i64: 1000, 1>}, {pipeline_mode = #tpu.pipeline_mode<synchronous>, transform_indices = @transform_7, window_bounds = array<i64: 384, 10>}, {pipeline_mode = #tpu.pipeline_mode<synchronous>, transform_indices = @transform_8, window_bounds = array<i64: 1, 10>}, {pipeline_mode = #tpu.pipeline_mode<synchronous>, transform_indices = @transform_9, window_bounds = array<i64: 16, 10>}]} {
    %eq3A = arith.constant 0 : i32
    %eq3A_0 = arith.cmpi eq, %arg0, %eq3A : i32
    %convert_element_type3A = arith.extui %eq3A_0 : i1 to i32
    %cond3A = arith.constant 0 : i32
    %cond3A_1 = arith.cmpi ne, %convert_element_type3A, %cond3A : i32
    scf.if %cond3A_1 {
      %broadcast_in_dim3A_47 = arith.constant 0.000000e+00 : f32
      %broadcast_in_dim3A_48 = vector.broadcast %broadcast_in_dim3A_47 : f32 to vector<16x384xf32>
      %swap3A_49 = arith.constant 0 : index
      %swap3A_50 = arith.constant 0 : index
      %swap3A_51 = vector.load %arg11[%swap3A_49, %swap3A_50] : memref<16x384xf32, #tpu.memory_space<vmem>>, vector<16x384xf32>
      tpu.vector_store %arg11[%swap3A_49, %swap3A_50], %broadcast_in_dim3A_48 {strides = array<i32>} : memref<16x384xf32, #tpu.memory_space<vmem>>, vector<16x384xf32>,
      %broadcast_in_dim3A_52 = arith.constant 0.000000e+00 : f32
      %broadcast_in_dim3A_53 = vector.broadcast %broadcast_in_dim3A_52 : f32 to vector<16x1xf32>
      %swap3A_54 = arith.constant 0 : index
      %swap3A_55 = arith.constant 0 : index
      %swap3A_56 = vector.load %arg12[%swap3A_54, %swap3A_55] : memref<16x1xf32, #tpu.memory_space<vmem>>, vector<16x1xf32>
      tpu.vector_store %arg12[%swap3A_54, %swap3A_55], %broadcast_in_dim3A_53 {strides = array<i32>} : memref<16x1xf32, #tpu.memory_space<vmem>>, vector<16x1xf32>,
    } else {
    }
    %get3A = arith.constant 0 : index
    %get3A_2 = arith.constant 0 : index
    %get3A_3 = vector.load %arg7[%get3A, %get3A_2] : memref<1000x1xi32, #tpu.memory_space<vmem>>, vector<1000x1xi32>
    %iota3A = tpu.iota {dimensions = array<i32: 1>} : vector<1000x16xi32>
    %eq3A_4 = vector.broadcast %get3A_3 : vector<1000x1xi32> to vector<1000x16xi32>
    %eq3A_5 = arith.cmpi eq, %iota3A, %eq3A_4 : vector<1000x16xi32>
    %convert_element_type3A_6 = arith.extui %eq3A_5 : vector<1000x16xi1> to vector<1000x16xi32>
    %convert_element_type3A_7 = arith.sitofp %convert_element_type3A_6 : vector<1000x16xi32> to vector<1000x16xf32>
    %get3A_8 = arith.constant 0 : index
    %get3A_9 = arith.constant 0 : index
    %get3A_10 = vector.load %arg1[%get3A_8, %get3A_9] : memref<1000x64xf32, #tpu.memory_space<vmem>>, vector<1000x64xf32>
    %get3A_11 = arith.constant 0 : index
    %get3A_12 = arith.constant 0 : index
    %get3A_13 = vector.load %arg2[%get3A_11, %get3A_12] : memref<1000x64xf32, #tpu.memory_space<vmem>>, vector<1000x64xf32>
    %get3A_14 = arith.constant 0 : index
    %get3A_15 = arith.constant 0 : index
    %get3A_16 = vector.load %arg3[%get3A_14, %get3A_15] : memref<1000x64xf32, #tpu.memory_space<vmem>>, vector<1000x64xf32>
    %get3A_17 = arith.constant 0 : index
    %get3A_18 = arith.constant 0 : index
    %get3A_19 = vector.load %arg4[%get3A_17, %get3A_18] : memref<1000x64xf32, #tpu.memory_space<vmem>>, vector<1000x64xf32>
    %get3A_20 = arith.constant 0 : index
    %get3A_21 = arith.constant 0 : index
    %get3A_22 = vector.load %arg5[%get3A_20, %get3A_21] : memref<1000x64xf32, #tpu.memory_space<vmem>>, vector<1000x64xf32>
    %get3A_23 = arith.constant 0 : index
    %get3A_24 = arith.constant 0 : index
    %get3A_25 = vector.load %arg6[%get3A_23, %get3A_24] : memref<1000x64xf32, #tpu.memory_space<vmem>>, vector<1000x64xf32>
    %concatenate3A = tpu.concatenate %get3A_10, %get3A_13, %get3A_16, %get3A_19, %get3A_22, %get3A_25 in 1 : vector<1000x64xf32>, vector<1000x64xf32>, vector<1000x64xf32>, vector<1000x64xf32>, vector<1000x64xf32>, vector<1000x64xf32> -> vector<1000x384xf32>
    %get3A_26 = arith.constant 0 : index
    %get3A_27 = arith.constant 0 : index
    %get3A_28 = vector.load %arg11[%get3A_26, %get3A_27] : memref<16x384xf32, #tpu.memory_space<vmem>>, vector<16x384xf32>
    %dot_general3A = arith.constant dense<0.000000e+00> : vector<16x384xf32>
    %dot_general3A_29 = tpu.matmul %convert_element_type3A_7, %concatenate3A, %dot_general3A {dimension_numbers = #tpu.dot_dimension_numbers<[0], [0], [1], [1], [0, 1, 1, 1], [], []>, transpose_lhs_hint = false} : vector<1000x16xf32>, vector<1000x384xf32>, vector<16x384xf32> -> vector<16x384xf32>
    %add3A = arith.addf %get3A_28, %dot_general3A_29 : vector<16x384xf32>
    %swap3A = arith.constant 0 : index
    %swap3A_30 = arith.constant 0 : index
    %swap3A_31 = vector.load %arg11[%swap3A, %swap3A_30] : memref<16x384xf32, #tpu.memory_space<vmem>>, vector<16x384xf32>
    tpu.vector_store %arg11[%swap3A, %swap3A_30], %add3A {strides = array<i32>} : memref<16x384xf32, #tpu.memory_space<vmem>>, vector<16x384xf32>,
    %broadcast_in_dim3A = arith.constant 1.000000e+00 : f32
    %broadcast_in_dim3A_32 = vector.broadcast %broadcast_in_dim3A : f32 to vector<1000x1xf32>
    %get3A_33 = arith.constant 0 : index
    %get3A_34 = arith.constant 0 : index
    %get3A_35 = vector.load %arg12[%get3A_33, %get3A_34] : memref<16x1xf32, #tpu.memory_space<vmem>>, vector<16x1xf32>
    %dot_general3A_36 = arith.constant dense<0.000000e+00> : vector<16x1xf32>
    %dot_general3A_37 = tpu.matmul %convert_element_type3A_7, %broadcast_in_dim3A_32, %dot_general3A_36 {dimension_numbers = #tpu.dot_dimension_numbers<[0], [0], [1], [1], [0, 1, 1, 1], [], []>, transpose_lhs_hint = false} : vector<1000x16xf32>, vector<1000x1xf32>, vector<16x1xf32> -> vector<16x1xf32>
    %add3A_38 = arith.addf %get3A_35, %dot_general3A_37 : vector<16x1xf32>
    %swap3A_39 = arith.constant 0 : index
    %swap3A_40 = arith.constant 0 : index
    %swap3A_41 = vector.load %arg12[%swap3A_39, %swap3A_40] : memref<16x1xf32, #tpu.memory_space<vmem>>, vector<16x1xf32>
    tpu.vector_store %arg12[%swap3A_39, %swap3A_40], %add3A_38 {strides = array<i32>} : memref<16x1xf32, #tpu.memory_space<vmem>>, vector<16x1xf32>,
    %eq3A_42 = arith.constant 9 : i32
    %eq3A_43 = arith.cmpi eq, %arg0, %eq3A_42 : i32
    %convert_element_type3A_44 = arith.extui %eq3A_43 : i1 to i32
    %cond3A_45 = arith.constant 0 : i32
    %cond3A_46 = arith.cmpi ne, %convert_element_type3A_44, %cond3A_45 : i32
    scf.if %cond3A_46 {
      %get3A_47 = arith.constant 0 : index
      %get3A_48 = arith.constant 0 : index
      %get3A_49 = vector.load %arg11[%get3A_47, %get3A_48] : memref<16x384xf32, #tpu.memory_space<vmem>>, vector<16x384xf32>
      %get3A_50 = arith.constant 0 : index
      %get3A_51 = arith.constant 0 : index
      %get3A_52 = vector.load %arg12[%get3A_50, %get3A_51] : memref<16x1xf32, #tpu.memory_space<vmem>>, vector<16x1xf32>
      %max3A = arith.constant 1.000000e+00 : f32
      %max3A_53 = vector.broadcast %max3A : f32 to vector<16x1xf32>
      %max3A_54 = arith.maximumf %get3A_52, %max3A_53 : vector<16x1xf32>
      %div3A = vector.broadcast %max3A_54 : vector<16x1xf32> to vector<16x384xf32>
      %div3A_55 = arith.divf %get3A_49, %div3A : vector<16x384xf32>
      %get3A_56 = arith.constant 0 : index
      %get3A_57 = arith.constant 0 : index
      %get3A_58 = vector.load %arg8[%get3A_56, %get3A_57] : memref<384x10xf32, #tpu.memory_space<vmem>>, vector<384x10xf32>
      %dot_general3A_59 = arith.constant dense<0.000000e+00> : vector<16x10xf32>
      %dot_general3A_60 = tpu.matmul %div3A_55, %get3A_58, %dot_general3A_59 {dimension_numbers = #tpu.dot_dimension_numbers<[1], [0], [0], [1], [0, 0, 1, 1], [], []>, transpose_lhs_hint = false} : vector<16x384xf32>, vector<384x10xf32>, vector<16x10xf32> -> vector<16x10xf32>
      %get3A_61 = arith.constant 0 : index
      %get3A_62 = arith.constant 0 : index
      %get3A_63 = vector.load %arg9[%get3A_61, %get3A_62] : memref<1x10xf32, #tpu.memory_space<vmem>>, vector<1x10xf32>
      %add3A_64 = vector.broadcast %get3A_63 : vector<1x10xf32> to vector<16x10xf32>
      %add3A_65 = arith.addf %dot_general3A_60, %add3A_64 : vector<16x10xf32>
      %swap3A_66 = arith.constant 0 : index
      %swap3A_67 = arith.constant 0 : index
      %swap3A_68 = vector.load %arg10[%swap3A_66, %swap3A_67] : memref<16x10xf32, #tpu.memory_space<vmem>>, vector<16x10xf32>
      tpu.vector_store %arg10[%swap3A_66, %swap3A_67], %add3A_65 {strides = array<i32>} : memref<16x10xf32, #tpu.memory_space<vmem>>, vector<16x10xf32>,
    } else {
    }
    return
  }
  func.func @transform_0(%arg0: i32) -> (i32, i32) {
    %c0_i32 = arith.constant 0 : i32
    %c0_i32_0 = arith.constant 0 : i32
    return %arg0, %c0_i32 : i32, i32
  }
  func.func @transform_1(%arg0: i32) -> (i32, i32) {
    %c0_i32 = arith.constant 0 : i32
    %c0_i32_0 = arith.constant 0 : i32
    return %arg0, %c0_i32 : i32, i32
  }
  func.func @transform_2(%arg0: i32) -> (i32, i32) {
    %c0_i32 = arith.constant 0 : i32
    %c0_i32_0 = arith.constant 0 : i32
    return %arg0, %c0_i32 : i32, i32
  }
  func.func @transform_3(%arg0: i32) -> (i32, i32) {
    %c0_i32 = arith.constant 0 : i32
    %c0_i32_0 = arith.constant 0 : i32
    return %arg0, %c0_i32 : i32, i32
  }
  func.func @transform_4(%arg0: i32) -> (i32, i32) {
    %c0_i32 = arith.constant 0 : i32
    %c0_i32_0 = arith.constant 0 : i32
    return %arg0, %c0_i32 : i32, i32
  }
  func.func @transform_5(%arg0: i32) -> (i32, i32) {
    %c0_i32 = arith.constant 0 : i32
    %c0_i32_0 = arith.constant 0 : i32
    return %arg0, %c0_i32 : i32, i32
  }
  func.func @transform_6(%arg0: i32) -> (i32, i32) {
    %c0_i32 = arith.constant 0 : i32
    %c0_i32_0 = arith.constant 0 : i32
    return %arg0, %c0_i32 : i32, i32
  }
  func.func @transform_7(%arg0: i32) -> (i32, i32) {
    %c0_i32 = arith.constant 0 : i32
    %c0_i32_0 = arith.constant 0 : i32
    %c0_i32_1 = arith.constant 0 : i32
    return %c0_i32, %c0_i32_0 : i32, i32
  }
  func.func @transform_8(%arg0: i32) -> (i32, i32) {
    %c0_i32 = arith.constant 0 : i32
    %c0_i32_0 = arith.constant 0 : i32
    %c0_i32_1 = arith.constant 0 : i32
    return %c0_i32, %c0_i32_0 : i32, i32
  }
  func.func @transform_9(%arg0: i32) -> (i32, i32) {
    %c0_i32 = arith.constant 0 : i32
    %c0_i32_0 = arith.constant 0 : i32
    %c0_i32_1 = arith.constant 0 : i32
    return %c0_i32, %c0_i32_0 : i32, i32
  }
}

</mosaic_0001>

<sc_bundles>
// kernel: kernel.12.cloned.1.call-start
scs
__scs_entry_jumppad:
0x0: {  	(pc) =	sbr.rel $0x88, $3  }
0x1: {  	(tag) =	ssettag $0x0;
	lr =	simm.s32 $0x1  }
0x2: {  	[smem:$0x3F99] =	sst lr;
	_ =	strace $0xD0000000  }
0x3: {  	_ = 	snop  }
0x4: {  	_ = 	snop  }
0x5: {  	_ = 	snop  }
0x6: {  	_ = 	snop  }
0x7: {  	_ = 	snop  }
__scs_overlays_trampoline_lowered:
0x8: {  	[smem:$0x3FA8] =	sst s0  }
0x9: {  	[smem:$0x3FA9] =	sst s1  }
0xa: {  	[smem:$0x3FAA] =	sst s2  }
0xb: {  	[smem:$0x3FAB] =	sst s3  }
0xc: {  	[smem:$0x3FAC] =	sst s4  }
0xd: {  	[smem:$0x3FAD] =	sst s5  }
0xe: {  	[smem:$0x3FAE] =	sst s6  }
0xf: {  	[smem:$0x3FAF] =	sst s7  }
0x10: {  	[smem:$0x3FB0] =	sst s8  }
0x11: {  	[smem:$0x3FB1] =	sst s9;
	s0 =	simm.s32 @!p0 $0x0  }
0x12: {  	s1 =	sld [smem:$0x3F97];
	s0 =	simm.s32 @p0 $0x1  }
0x13: {  	[smem:$0x3FB2] =	sst s0;
	s0 =	simm.s32 @!p1 $0x0  }
0x14: {  	s2 =	sld [smem:$0x3F96];
	s0 =	simm.s32 @p1 $0x1  }
0x15: {  	[smem:$0x3FB3] =	sst s0;
	s0 =	simm.s32 @!p2 $0x0  }
0x16: {  	s3 =	sld [smem:$0x3FDB];
	s0 =	simm.s32 @p2 $0x1  }
0x17: {  	s4 =	simm.s32 $0x1BF5;
	[smem:$0x3FB5] =	sst s0  }
0x18: {  	s0 =	sld [smem:$0x3F98];
	_ =	swait.ge [sflag:s4], $0x0  }
0x19: {  	s7 =	sld [smem:$0x3F99]  }
0x1a: {  	s8 =	sadd.s32 $0xFFFFE003, lr  }
0x1b: {  	s9 =	sadd.s32 $0xFFFFFEF7, lr;
	s5 =	simm.s32 $0xFFFFFFFF;
	p2 =	slt.u32 s8, $0xFFFFF086  }
0x1c: {  	p1 =	slt.u32 s9, $0xF7A;
	s5 =	simm.s32 @!p2 $0x0  }
0x1d: {  	s5 =	simm.s32 @p1 $0x1;
	p0 =	seq.s32 s7, s2  }
0x1e: {  	s7 =	smul.u32 @!p0 $0xF7A, s2;
	p2 =	seq.s32 @!p0 s5, $0x0  }
0x1f: {  	s9 =	smul.u32 $0xF7A, s1;
	s8 =	simm.s32 @!p0 $0x1BF5;
	p2 =	por !p2, p0  }
0x20: {  	[sflag:s8] =	ssyncset.s32 @!p0 $0xFFFFF086;
	s6 =	sadd.s32 @!p0 s3, s7;
	s7 =	simm.s32 @!p0 $0x108  }
0x21: {  	s3 =	sadd.s32 s3, s9;
	s6 =	sadd.s32 @!p0 $0x88, s6;
	s7 =	simm.s32 @p2 $0x1082  }
0x22: {  	[simem:s7], [sflag:s8] =	dma.local @!p0 [hbm:s6], $0xF7A  }
0x23: {  	s9 =	sor.u32 $0xD0000000, s2;
	s6 =	simm.s32 $0x108;
	_ =	swait.ge @!p0 [sflag:s8], $0x0  }
0x24: {  	s3 =	sadd.s32 $0x88, s3;
	s6 =	simm.s32 @!p1 $0x1082;
	[sflag:s4] =	ssyncset.s32 $0xFFFFF086  }
0x25: {  	[simem:s6], [sflag:s4] =	dma.local [hbm:s3], $0xF7A  }
0x26: {  	[smem:$0x3F99] =	sst s1;
	(tag) =	ssettag s2;
	_ =	strace s9  }
0x27: {  	s1 =	sld [smem:$0x3FA9]  }
0x28: {  	s2 =	sld [smem:$0x3FAA]  }
0x29: {  	s4 =	sld [smem:$0x3FAC]  }
0x2a: {  	p0 =	seq.s32 s5, $0x0;
	s5 =	sld [smem:$0x3FAD]  }
0x2b: {  	s6 =	sld [smem:$0x3FAE]  }
0x2c: {  	s7 =	sld [smem:$0x3FAF]  }
0x2d: {  	s3 =	simm.s32 $0x108;
	s8 =	sld [smem:$0x3FB0]  }
0x2e: {  	s3 =	simm.s32 @!p0 $0x1082;
	s9 =	sld [smem:$0x3FB1]  }
0x2f: {  	lr =	sadd.s32 s0, s3;
	s0 =	sld [smem:$0x3FA8]  }
0x30: {  	s3 =	sld [smem:$0x3FAB]  }
0x31: {  	[smem:$0x3FB4] =	sst s10  }
0x32: {  	s10 =	sld [smem:$0x3FB2];
	_ =	sdelay $0x3  }
0x33: {  	p0 =	seq.s32 s10, $0x1;
	s10 =	sld [smem:$0x3FB4];
	_ =	sdelay $0x3  }
0x34: {  	[smem:$0x3FB4] =	sst s10  }
0x35: {  	s10 =	sld [smem:$0x3FB3];
	_ =	sdelay $0x3  }
0x36: {  	p1 =	seq.s32 s10, $0x1;
	s10 =	sld [smem:$0x3FB4];
	_ =	sdelay $0x3  }
0x37: {  	[smem:$0x3FB4] =	sst s10  }
0x38: {  	s10 =	sld [smem:$0x3FB5]  }
0x39: {  	_ = 	snop;
	(pc) =	sbr.ind lr, $3  }
0x3a: {  	_ = 	snop  }
0x3b: {  	_ = 	snop  }
0x3c: {  	p2 =	seq.s32 s10, $0x1;
	s10 =	sld [smem:$0x3FB4]  }
0x3d: {  	_ =	shalt  }
0x3e: {  	_ =	shalt  }
0x3f: {  	_ =	shalt  }
0x40: {  	_ =	shalt  }
0x41: {  	_ =	shalt  }
0x42: {  	_ =	shalt  }
0x43: {  	_ =	shalt  }
0x44: {  	_ =	shalt  }
0x45: {  	_ =	shalt  }
0x46: {  	_ =	shalt  }
0x47: {  	_ =	shalt  }
0x48: {  	_ =	shalt  }
0x49: {  	_ =	shalt  }
0x4a: {  	_ =	shalt  }
0x4b: {  	_ =	shalt  }
0x4c: {  	_ =	shalt  }
0x4d: {  	_ =	shalt  }
0x4e: {  	_ =	shalt  }
0x4f: {  	_ =	shalt  }
0x50: {  	_ =	shalt  }
0x51: {  	_ =	shalt  }
0x52: {  	_ =	shalt  }
0x53: {  	_ =	shalt  }
0x54: {  	_ =	shalt  }
0x55: {  	_ =	shalt  }
0x56: {  	_ =	shalt  }
0x57: {  	_ =	shalt  }
0x58: {  	_ =	shalt  }
0x59: {  	_ =	shalt  }
0x5a: {  	_ =	shalt  }
0x5b: {  	_ =	shalt  }
0x5c: {  	_ =	shalt  }
0x5d: {  	_ =	shalt  }
0x5e: {  	_ =	shalt  }
0x5f: {  	_ =	shalt  }
0x60: {  	_ =	shalt  }
0x61: {  	_ =	shalt  }
0x62: {  	_ =	shalt  }
0x63: {  	_ =	shalt  }
0x64: {  	_ =	shalt  }
0x65: {  	_ =	shalt  }
0x66: {  	_ =	shalt  }
0x67: {  	_ =	shalt  }
0x68: {  	_ =	shalt  }
0x69: {  	_ =	shalt  }
0x6a: {  	_ =	shalt  }
0x6b: {  	_ =	shalt  }
0x6c: {  	_ =	shalt  }
0x6d: {  	_ =	shalt  }
0x6e: {  	_ =	shalt  }
0x6f: {  	_ =	shalt  }
0x70: {  	_ =	shalt  }
0x71: {  	_ =	shalt  }
0x72: {  	_ =	shalt  }
0x73: {  	_ =	shalt  }
0x74: {  	_ =	shalt  }
0x75: {  	_ =	shalt  }
0x76: {  	_ =	shalt  }
0x77: {  	_ =	shalt  }
0x78: {  	_ =	shalt  }
0x79: {  	_ =	shalt  }
0x7a: {  	_ =	shalt  }
0x7b: {  	_ =	shalt  }
0x7c: {  	_ =	shalt  }
0x7d: {  	_ =	shalt  }
0x7e: {  	_ =	shalt  }
0x7f: {  	_ =	shalt  }
0x80: {  	_ =	shalt  }
0x81: {  	_ =	shalt  }
0x82: {  	_ =	shalt  }
0x83: {  	_ =	shalt  }
0x84: {  	_ =	shalt  }
0x85: {  	_ =	shalt  }
0x86: {  	_ =	shalt  }
0x87: {  	_ =	shalt  }
.Lfunc_end0:
.L_simem_size_0:
called_computation.1_lowered:
.L_overlay_start_0:
0x88: {  	s2 =	sld [smem:$0x3FD9]  }
0x89: {  	s3 =	sld [smem:$0x3FFE];
	_ =	sdelay $0x1  }
0x8a: {  	s1 =	srdreg.scid  }
0x8b: {  	s0 =	sand.u32 $0x1, s1  }
0x8c: {  	s16 =	sshll.u32 s0, $0xA;
	s2 =	sadd.s32 s3, s2  }
0x8d: {  	s2 =	sadd.s32 s2, s16  }
0x8e: {  	[smem:$0x3FC0] =	sst s2  }
0x8f: {  	_ = 	snop  }
0x90: {  	(tm) =	ssettm $0x1  }
0x91: {  	s17 =	sld [smem:$0x3FFB];
	_ =	sdelay $0x3  }
0x92: {  	_ =	strace s17  }
0x93: {  	s2 =	sld [smem:$0x3FFC];
	_ =	sdelay $0x3  }
0x94: {  	_ =	strace s2  }
0x95: {  	s2 =	sld [smem:$0x3FFD];
	_ =	sdelay $0x3  }
0x96: {  	_ =	strace s2  }
0x97: {  	_ =	strace $0x8FFFFFFF  }
0x98: {  	s18 =	sld [smem:$0x3FDB];
	_ =	sdelay $0x1  }
0x99: {  	s19 =	simm.s32 $_scs_section_size  }
0x9a: {  	s4 =	simm.s32 $_size__tile_overlayer_lowered;
	s5 =	simm.s32 $_tile_overlayer_lowered  }
0x9b: {  	s22 =	simm.s32 $0x1BFF;
	s21 =	sshll.u32 s5, $0x1;
	s2 =	sadd.s32 s19, s18  }
0x9c: {  	s6 =	simm.s32 $0x0;
	s20 =	sshll.u32 s4, $0x1;
	s4 =	sadd.s32 s21, s2  }
0x9d: {  	[timem:s6], [sflag:s22] =	dma.local [hbm:s4], s20  }
0x9e: {  	_ =	swait.ge [sflag:s22], s20  }
0x9f: {  	s3 =	ssub.s32 $0x0, s20;
	[sflag:s22] =	ssyncset.done $0x0  }
0xa0: {  	[sflag:s22] =	ssyncadd.s32 s3;
	_ =	sdelay $0x1  }
0xa1: {  	s23 =	simm.s32 $0x1B8B  }
0xa2: {  	_ =	swait.ge [sflag:s23], $0x1  }
0xa3: {  	[sflag:s23] =	ssyncset.done $0x0  }
0xa4: {  	s25 =	simm.s32 $0x1B8E;
	s24 =	sld [smem:$0x3FFE];
	[sflag:s23] =	ssyncadd.s32 $0xFFFFFFFF  }
0xa5: {  	s26 =	simm.s32 $execute0_lowered;
	[smem:$0x3FD2] =	sst s25  }
0xa6: {  	s4 =	sshll.u32 s26, $0x1;
	_ =	strace $0x80000049;
	[dreg:$0x1] =	wrdreg $0xFFFFFFFF  }
0xa7: {  	s28 =	simm.s32 $_size_execute0_lowered;
	s2 =	sadd.s32 s2, s4;
	[dreg:$0x0] =	wrdreg $0x0  }
0xa8: {  	s4 =	sshll.u32 s28, $0x1;
	[dreg:$0x2] =	wrdreg s2  }
0xa9: {  	[dreg:$0x3] =	wrdreg s4  }
0xaa: {  	[dreg:$0x4] =	wrdreg $0xC0  }
0xab: {  	_ =	task [dreg:s6], $0x5FFFF  }
0xac: {  	[dreg:$0x1] =	wrdreg $0xFFFFFFFF  }
0xad: {  	[dreg:$0x0] =	wrdreg $0x60  }
0xae: {  	[dreg:$0x2] =	wrdreg s24  }
0xaf: {  	[dreg:$0x3] =	wrdreg $0xBF000  }
0xb0: {  	[dreg:$0x4] =	wrdreg $0x9  }
0xb1: {  	_ =	task.clear_ibuf [dreg:s6], $0x5FFFF;
	_ =	strace $0x90000049  }
0xb2: {  	s29 =	simm.s32 $0x9;
	_ =	strace $0x8000004B  }
0xb3: {  	_ =	swait.ge [sflag:s29], $0x1  }
0xb4: {  	[sflag:s29] =	ssyncadd.s32 $0xFFFFFFFF  }
0xb5: {  	_ =	strace $0x9000004B  }
0xb6: {  	_ =	sfence  }
0xb7: {  	s30 =	sld [smem:$0x0];
	_ =	sdelay $0x2  }
0xb8: {  	s31 =	sshll.u32 s1, $0xD;
	s1 =	sshrl.u32 s1, $0x2  }
0xb9: {  	s3 =	sand.u32 $0x4000, s31;
	s1 =	sadd.s32 s1, s30  }
0xba: {  	s0 =	sor.u32 s3, s0;
	s1 =	sshll.u32 s1, $0x11  }
0xbb: {  	s0 =	sor.u32 s1, s0  }
0xbc: {  	s0 =	sadd.s32 $0x8F2B, s0  }
0xbd: {  	[sflag:s0] =	ssyncadd.remote.s32 $0x1  }
0xbe: {  	_ =	sfence.sel $0xFFFF  }
0xbf: {  	[dreg:$0x0] =	wrdreg $0xFFFFFFFF;
	(pc) =	sbr.abs _section_cstart, $3  }
0xc0: {  	[dreg:$0x1] =	wrdreg $0xFFFFFFFF  }
0xc1: {  	_ =	task.clear_ibuf [dreg:s6], $0x2FFFF;
	_ =	strace $0x9FFFFFFF  }
0xc2: {  	(tm) =	ssettm $0x7FFFFFFF  }
0xc3: {  	_ =	shalt  }
tec
execute0_lowered:
.L_overlay_start_1:
0x0: {  	(tag) =	ssettag $0x1  }
0x1: {  	s11 =	rddreg [dreg:$0x0]  }
0x2: {  	s1 =	rddreg [dreg:$0x1]  }
0x3: {  	s0 =	rddreg [dreg:$0x2];
	s3 =	simm.s32 $0x0  }
0x4: {  	s2 =	stileid.u32;
	s4 =	srdreg.scid;
	s16 =	simm.s32 $0x66A00  }
0x5: {  	s18 =	simm.s32 $0x20;
	s20 =	simm.s32 $0x0;
	s5 =	smul.u32 $0x27800, s2  }
0x6: {  	[smem:$0x7FF] =	sst s3;
	s13 =	sadd.s32 $0xE800, s11;
	s7 =	smul.u32 $0x4E20, s2  }
0x7: {  	s12 =	sadd.s32 $0x4A00, s11;
	s6 =	sand.u32 $0x1, s4;
	s14 =	smul.u32 $0x9E00, s2  }
0x8: {  	s9 =	sadd.s32 $0x8DE00, s11;
	s17 =	smul.u32 $0x9C4, s2;
	_ =	strace $0x8000004A  }
0x9: {  	s4 =	ssub.s32 $0x2, s6;
	s10 =	smul.u32 $0x9C400, s6;
	p0 =	seq.s32 s6, $0x1  }
0xa: {  	s8 =	sshrl.u32 s4, $0x1;
	s5 =	sshrl.u32 s5, $0x2;
	s7 =	sshrl.u32 s7, $0x3  }
0xb: {  	s19 =	sadd.s32 s14, s1;
	s16 =	simm.s32 @!p0 $0x7A400;
	p0 =	seq.s32 s2, $0xF  }
0xc: {  	s15 =	ssub.s32 s4, s8;
	s4 =	sadd.s32 s5, s1;
	s5 =	sadd.s32 $0x94200, s1  }
0xd: {  	s7 =	sadd.s32 $0x9C0, s7;
	s31 =	sadd.s32 s14, s10;
	s10 =	sshrl.u32 s10, $0x3  }
0xe: {  	s11 =	sadd.s32 s16, s11;
	s14 =	simm.s32 $0x2;
	s16 =	simm.s32 $0x100  }
0xf: {  	s19 =	sshrl.u32 @!p0 s19, $0x3;
	s6 =	sadd.s32 s13, s7;
	s8 =	sshrl.u32 s31, $0x3  }
0x10: {  	s7 =	sadd.s32 s12, s7;
	s12 =	sadd.s32 s17, s12;
	s13 =	sadd.s32 s17, s13  }
0x11: {  	s17 =	simm.s32 $0x1;
	s8 =	sadd.s32 s9, s8;
	s9 =	sadd.s32 s9, s10  }
0x12: {  	v0 =	vimm.f32 $0.0e+00;
	s10 =	smax.u32 s15, $0x1;
	s15 =	simm.s32 $0x80;
	s9 =	sadd.s32 $0x12840, s9  }
.LBB2_1:
0x13: {  	s22 =	simm.s32 $0x100;
	s21 =	simm.s32 $0x0  }
.LBB2_2:
0x14: {  	p1 =	sne.s32 s22, $0x27700;
	[tilespmem:s21+$0x2130] =	vst v0;
	s23 =	smov.u32 s22;
	s22 =	sadd.s32 $0x100, s22  }
.Ltmp0:
0x15: {  	[tilespmem:s21+$0x2120] =	vst v0;
	(pc) =	sbr.rel @p1 .LBB2_2-.Ltmp0, $3  }
0x16: {  	[tilespmem:s21+$0x2100] =	vst v0  }
0x17: {  	[tilespmem:s21+$0x2110] =	vst v0;
	_ =	sdelay $0x1  }
0x18: {  	s21 =	sshra.s32 s23, $0x2  }
0x19: {  	[tilespmem:s21+$0x2130] =	vst v0  }
0x1a: {  	[tilespmem:s21+$0x2120] =	vst v0  }
0x1b: {  	[tilespmem:s21+$0x2100] =	vst v0  }
0x1c: {  	[tilespmem:s21+$0x2110] =	vst v0;
	s21 =	simm.s32 @p0 $0x2100  }
0x1d: {  	[spmem:s5] =	stream.linear.scatter @p0 [tilespmem:s21], [sflag:$0x2], $0x8200, $0x38;
	[tilespmem:$0x15B40] =	vst v63  }
0x1e: {  	s21 =	simm.s32 @p0 $0x2  }
0x1f: {  	_ =	swait.ge @p0 [sflag:s21], $0x8200  }
0x20: {  	[sflag:s21] =	ssyncset.done @p0 $0x0  }
0x21: {  	[sflag:s21] =	ssyncadd.s32 @p0 $0xFFFF7E00;
	s21 =	simm.s32 @!p0 $0x2100  }
0x22: {  	[spmem:s4] =	stream.linear.scatter @!p0 [tilespmem:s21], [sflag:$0x2], $0x9E00, $0x38;
	[tilespmem:$0x15B40] =	vst v63  }
0x23: {  	s21 =	simm.s32 @!p0 $0x2  }
0x24: {  	_ =	swait.ge @!p0 [sflag:s21], $0x9E00  }
0x25: {  	[sflag:s21] =	ssyncset.done @!p0 $0x0  }
0x26: {  	[sflag:s21] =	ssyncadd.s32 @!p0 $0xFFFF6200  }
0x27: {  	s30 =	sadd.s32 $0x0, s13;
	[bflag:$0x0] =	sbarrier.arrive $0xFFFF  }
0x28: {  	[tilespmem:s3], [sflag:$0x2] =	stream.linear.gather [hbm4b:s30+s3], $0x80, $0x38;
	[tilespmem:$0x15B40] =	vst v63  }
0x29: {  	_ =	swait.ge [sflag:s14], $0x80  }
0x2a: {  	[sflag:s14] =	ssyncset.done $0x0  }
0x2b: {  	s31 =	sadd.s32 $0x0, s12;
	[sflag:s14] =	ssyncadd.s32 $0xFFFFFF80  }
0x2c: {  	[tilespmem:s15], [sflag:$0x2] =	stream.linear.gather [hbm4b:s31+s3], $0x80, $0x38;
	[tilespmem:$0x15B40] =	vst v63  }
0x2d: {  	_ =	swait.ge [sflag:s14], $0x80  }
0x2e: {  	[sflag:s14] =	ssyncset.done $0x0  }
0x2f: {  	[sflag:s14] =	ssyncadd.s32 $0xFFFFFF80  }
0x30: {  	[tilespmem:s16], [sflag:$0x1] =	stream.indirect.gather [hbm4b:s11+s15], $0x40, s3, s15, $0xb8;
	[tilespmem:$0x15B40] =	vst v63  }
0x31: {  	_ =	swait.ge [sflag:s17], $0x2000  }
0x32: {  	[sflag:s17] =	ssyncset.done $0x0  }
0x33: {  	[sflag:s17] =	ssyncadd.s32 $0xFFFFE000  }
0x34: {  	[spmem:s1] =	stream.indirect.scatter.add.f32 [tilespmem:s16], [sflag:$0x2], $0x40, s15, s15, $0xb8;
	[tilespmem:$0x15B40] =	vst v63  }
0x35: {  	_ =	swait.ge [sflag:s14], $0x2000  }
0x36: {  	s22 =	simm.s32 $0x20;
	s21 =	simm.s32 $0x10;
	[sflag:s14] =	ssyncset.done $0x0  }
.LBB2_4:
0x37: {  	s23 =	sadd.s32 s21, s13  }
0x38: {  	[sflag:s14] =	ssyncadd.s32 $0xFFFFE000;
	s24 =	smov.u32 s22;
	s25 =	sadd.s32 $0x10, s22  }
0x39: {  	[tilespmem:s3], [sflag:$0x2] =	stream.linear.gather [hbm4b:s23+s3], $0x80, $0x38;
	[tilespmem:$0x15B40] =	vst v63  }
0x3a: {  	p1 =	sne.s32 s22, $0x9B0;
	_ =	swait.ge [sflag:s14], $0x80  }
0x3b: {  	[sflag:s14] =	ssyncset.done $0x0  }
0x3c: {  	s22 =	sadd.s32 s21, s12;
	s21 =	smov.u32 s24;
	[sflag:s14] =	ssyncadd.s32 $0xFFFFFF80  }
0x3d: {  	[tilespmem:s15], [sflag:$0x2] =	stream.linear.gather [hbm4b:s22+s3], $0x80, $0x38;
	[tilespmem:$0x15B40] =	vst v63  }
0x3e: {  	_ =	swait.ge [sflag:s14], $0x80  }
0x3f: {  	[sflag:s14] =	ssyncset.done $0x0  }
0x40: {  	[sflag:s14] =	ssyncadd.s32 $0xFFFFFF80  }
0x41: {  	[tilespmem:s16], [sflag:$0x1] =	stream.indirect.gather [hbm4b:s11+s15], $0x40, s3, s15, $0xb8;
	[tilespmem:$0x15B40] =	vst v63  }
0x42: {  	_ =	swait.ge [sflag:s17], $0x2000  }
.Ltmp1:
0x43: {  	[sflag:s17] =	ssyncset.done $0x0;
	(pc) =	sbr.rel @p1 .LBB2_4-.Ltmp1, $4  }
0x44: {  	[sflag:s17] =	ssyncadd.s32 $0xFFFFE000  }
0x45: {  	[spmem:s1] =	stream.indirect.scatter.add.f32 [tilespmem:s16], [sflag:$0x2], $0x40, s15, s15, $0xb8;
	[tilespmem:$0x15B40] =	vst v63  }
0x46: {  	_ =	swait.ge [sflag:s14], $0x2000  }
0x47: {  	s22 =	smov.u32 s25;
	[sflag:s14] =	ssyncset.done $0x0  }
0x48: {  	s22 =	sadd.s32 s21, s13;
	[sflag:s14] =	ssyncadd.s32 $0xFFFFE000  }
0x49: {  	[tilespmem:s3], [sflag:$0x2] =	stream.linear.gather [hbm4b:s22+s3], $0x80, $0x38;
	[tilespmem:$0x15B40] =	vst v63  }
0x4a: {  	_ =	swait.ge [sflag:s14], $0x80  }
0x4b: {  	[sflag:s14] =	ssyncset.done $0x0  }
0x4c: {  	s31 =	sadd.s32 s21, s12;
	[sflag:s14] =	ssyncadd.s32 $0xFFFFFF80  }
0x4d: {  	[tilespmem:s15], [sflag:$0x2] =	stream.linear.gather [hbm4b:s31+s3], $0x80, $0x38;
	[tilespmem:$0x15B40] =	vst v63  }
0x4e: {  	_ =	swait.ge [sflag:s14], $0x80  }
0x4f: {  	[sflag:s14] =	ssyncset.done $0x0  }
0x50: {  	[sflag:s14] =	ssyncadd.s32 $0xFFFFFF80  }
0x51: {  	[tilespmem:s16], [sflag:$0x1] =	stream.indirect.gather [hbm4b:s11+s15], $0x40, s3, s15, $0xb8;
	[tilespmem:$0x15B40] =	vst v63  }
0x52: {  	_ =	swait.ge [sflag:s17], $0x2000  }
0x53: {  	[sflag:s17] =	ssyncset.done $0x0  }
0x54: {  	[sflag:s17] =	ssyncadd.s32 $0xFFFFE000  }
0x55: {  	[spmem:s1] =	stream.indirect.scatter.add.f32 [tilespmem:s16], [sflag:$0x2], $0x40, s15, s15, $0xb8;
	[tilespmem:$0x15B40] =	vst v63  }
0x56: {  	_ =	swait.ge [sflag:s14], $0x2000  }
0x57: {  	[sflag:s14] =	ssyncset.done $0x0  }
0x58: {  	[sflag:s14] =	ssyncadd.s32 $0xFFFFE000  }
0x59: {  	[tilespmem:s3], [sflag:$0x2] =	stream.linear.gather [hbm4b:s6+s3], $0x20, $0x38;
	[tilespmem:$0x15B40] =	vst v63  }
0x5a: {  	_ =	swait.ge [sflag:s14], $0x20  }
0x5b: {  	[sflag:s14] =	ssyncset.done $0x0  }
0x5c: {  	[sflag:s14] =	ssyncadd.s32 $0xFFFFFFE0  }
0x5d: {  	[tilespmem:s15], [sflag:$0x2] =	stream.linear.gather [hbm4b:s7+s3], $0x20, $0x38;
	[tilespmem:$0x15B40] =	vst v63  }
0x5e: {  	_ =	swait.ge [sflag:s14], $0x20  }
0x5f: {  	[sflag:s14] =	ssyncset.done $0x0  }
0x60: {  	[sflag:s14] =	ssyncadd.s32 $0xFFFFFFE0  }
0x61: {  	[tilespmem:s16], [sflag:$0x1] =	stream.indirect.gather [hbm4b:s11+s18], $0x40, s3, s18, $0xb8;
	[tilespmem:$0x15B40] =	vst v63  }
0x62: {  	_ =	swait.ge [sflag:s17], $0x800  }
0x63: {  	[sflag:s17] =	ssyncset.done $0x0  }
0x64: {  	[sflag:s17] =	ssyncadd.s32 $0xFFFFF800  }
0x65: {  	[spmem:s1] =	stream.indirect.scatter.add.f32 [tilespmem:s16], [sflag:$0x2], $0x40, s15, s18, $0xb8;
	[tilespmem:$0x15B40] =	vst v63  }
0x66: {  	_ =	swait.ge [sflag:s14], $0x800  }
0x67: {  	[sflag:s14] =	ssyncset.done $0x0  }
0x68: {  	[sflag:s14] =	ssyncadd.s32 $0xFFFFF800  }
0x69: {  	s21 =	sshrl.u32 @p0 s5, $0x3;
	s22 =	simm.s32 @p0 $0x1FC2;
	[bflag:$0x0] =	sbarrier.arrive $0xFFFF  }
0x6a: {  	[hbm:s9], [sflag:s22] =	dma.local @p0 [spmem:s21], $0x1040  }
0x6b: {  	s21 =	simm.s32 @p0 $0x2  }
0x6c: {  	_ =	swait.ge @p0 [sflag:s21], $0x1040  }
0x6d: {  	s20 =	sadd.s32 $0x1, s20;
	s22 =	sshll.u32 @!p0 s2, $0x6;
	[sflag:s21] =	ssyncset.done @p0 $0x0  }
0x6e: {  	p1 =	sne.s32 s20, s10;
	[sflag:s21] =	ssyncadd.s32 @p0 $0xFFFFEFC0;
	s21 =	sor.u32 @!p0 $0x1C02, s22  }
0x6f: {  	[hbm:s8], [sflag:s21] =	dma.local @!p0 [spmem:s19], $0x13C0  }
.Ltmp2:
0x70: {  	_ = 	snop;
	(pc) =	sbr.rel @p1 .LBB2_1-.Ltmp2, $4  }
0x71: {  	s21 =	simm.s32 @!p0 $0x2  }
0x72: {  	_ =	swait.ge @!p0 [sflag:s21], $0x13C0  }
0x73: {  	[sflag:s21] =	ssyncset.done @!p0 $0x0  }
0x74: {  	[sflag:s21] =	ssyncadd.s32 @!p0 $0xFFFFEC40  }
0x75: {  	_ =	sfence.sel $0x180000  }
0x76: {  	[bflag:$0x0] =	sbarrier.arrive $0xFFFF  }
0x77: {  	p0 =	sne.s32 s2, $0x0;
	_ =	strace $0x9000004A  }
0x78: {  	s0 =	sadd.s32 @!p0 $0x100000, s0;
	[bflag:$0x2] =	sbarrier.arrive $0xFFFF  }
0x79: {  	[sflag:s0] =	ssyncadd.tile.s32 @!p0 $0x1;
	_ =	shalt  }
.Lfunc_end2:
_tile_overlayer_lowered:
.L_overlay_start_2:
0x7a: {  	(tag) =	ssettag $0x2  }
0x7b: {  	s0 =	rddreg [dreg:$0x0];
	s2 =	stileid.u32  }
0x7c: {  	s1 =	rddreg [dreg:$0x1];
	p0 =	sne.s32 s2, $0x0  }
0x7d: {  	s3 =	rddreg [dreg:$0x2];
	[bflag:$0x3] =	sbarrier.arrive $0xFFFF;
	s2 =	simm.s32 @!p0 $0x1C02  }
0x7e: {  	[timem:s3], [sflag:s2] =	dma.local @!p0 [hbm:s0], s1  }
0x7f: {  	s0 =	simm.s32 @!p0 $0x2  }
0x80: {  	_ =	swait.ge @!p0 [sflag:s0], s1  }
0x81: {  	s1 =	ssub.s32 @!p0 $0x0, s1;
	[sflag:s0] =	ssyncset.done @!p0 $0x0  }
0x82: {  	[sflag:s0] =	ssyncadd.s32 @!p0 s1  }
0x83: {  	[bflag:$0x3] =	sbarrier.arrive $0xFFFF  }
0x84: {  	_ =	shalt  }

// kernel: kernel.15.cloned.1.call-start
scs
__scs_entry_jumppad:
0x0: {  	(pc) =	sbr.rel $0x88, $3  }
0x1: {  	(tag) =	ssettag $0x0;
	lr =	simm.s32 $0x1  }
0x2: {  	[smem:$0x3F99] =	sst lr;
	_ =	strace $0xD0000000  }
0x3: {  	_ = 	snop  }
0x4: {  	_ = 	snop  }
0x5: {  	_ = 	snop  }
0x6: {  	_ = 	snop  }
0x7: {  	_ = 	snop  }
__scs_overlays_trampoline_lowered:
0x8: {  	[smem:$0x3FA8] =	sst s0  }
0x9: {  	[smem:$0x3FA9] =	sst s1  }
0xa: {  	[smem:$0x3FAA] =	sst s2  }
0xb: {  	[smem:$0x3FAB] =	sst s3  }
0xc: {  	[smem:$0x3FAC] =	sst s4  }
0xd: {  	[smem:$0x3FAD] =	sst s5  }
0xe: {  	[smem:$0x3FAE] =	sst s6  }
0xf: {  	[smem:$0x3FAF] =	sst s7  }
0x10: {  	[smem:$0x3FB0] =	sst s8  }
0x11: {  	[smem:$0x3FB1] =	sst s9;
	s0 =	simm.s32 @!p0 $0x0  }
0x12: {  	s1 =	sld [smem:$0x3F97];
	s0 =	simm.s32 @p0 $0x1  }
0x13: {  	[smem:$0x3FB2] =	sst s0;
	s0 =	simm.s32 @!p1 $0x0  }
0x14: {  	s2 =	sld [smem:$0x3F96];
	s0 =	simm.s32 @p1 $0x1  }
0x15: {  	[smem:$0x3FB3] =	sst s0;
	s0 =	simm.s32 @!p2 $0x0  }
0x16: {  	s3 =	sld [smem:$0x3FDB];
	s0 =	simm.s32 @p2 $0x1  }
0x17: {  	s4 =	simm.s32 $0x1BF5;
	[smem:$0x3FB5] =	sst s0  }
0x18: {  	s0 =	sld [smem:$0x3F98];
	_ =	swait.ge [sflag:s4], $0x0  }
0x19: {  	s7 =	sld [smem:$0x3F99]  }
0x1a: {  	s8 =	sadd.s32 $0xFFFFE003, lr  }
0x1b: {  	s9 =	sadd.s32 $0xFFFFFEF7, lr;
	s5 =	simm.s32 $0xFFFFFFFF;
	p2 =	slt.u32 s8, $0xFFFFF086  }
0x1c: {  	p1 =	slt.u32 s9, $0xF7A;
	s5 =	simm.s32 @!p2 $0x0  }
0x1d: {  	s5 =	simm.s32 @p1 $0x1;
	p0 =	seq.s32 s7, s2  }
0x1e: {  	s7 =	smul.u32 @!p0 $0xF7A, s2;
	p2 =	seq.s32 @!p0 s5, $0x0  }
0x1f: {  	s9 =	smul.u32 $0xF7A, s1;
	s8 =	simm.s32 @!p0 $0x1BF5;
	p2 =	por !p2, p0  }
0x20: {  	[sflag:s8] =	ssyncset.s32 @!p0 $0xFFFFF086;
	s6 =	sadd.s32 @!p0 s3, s7;
	s7 =	simm.s32 @!p0 $0x108  }
0x21: {  	s3 =	sadd.s32 s3, s9;
	s6 =	sadd.s32 @!p0 $0x88, s6;
	s7 =	simm.s32 @p2 $0x1082  }
0x22: {  	[simem:s7], [sflag:s8] =	dma.local @!p0 [hbm:s6], $0xF7A  }
0x23: {  	s9 =	sor.u32 $0xD0000000, s2;
	s6 =	simm.s32 $0x108;
	_ =	swait.ge @!p0 [sflag:s8], $0x0  }
0x24: {  	s3 =	sadd.s32 $0x88, s3;
	s6 =	simm.s32 @!p1 $0x1082;
	[sflag:s4] =	ssyncset.s32 $0xFFFFF086  }
0x25: {  	[simem:s6], [sflag:s4] =	dma.local [hbm:s3], $0xF7A  }
0x26: {  	[smem:$0x3F99] =	sst s1;
	(tag) =	ssettag s2;
	_ =	strace s9  }
0x27: {  	s1 =	sld [smem:$0x3FA9]  }
0x28: {  	s2 =	sld [smem:$0x3FAA]  }
0x29: {  	s4 =	sld [smem:$0x3FAC]  }
0x2a: {  	p0 =	seq.s32 s5, $0x0;
	s5 =	sld [smem:$0x3FAD]  }
0x2b: {  	s6 =	sld [smem:$0x3FAE]  }
0x2c: {  	s7 =	sld [smem:$0x3FAF]  }
0x2d: {  	s3 =	simm.s32 $0x108;
	s8 =	sld [smem:$0x3FB0]  }
0x2e: {  	s3 =	simm.s32 @!p0 $0x1082;
	s9 =	sld [smem:$0x3FB1]  }
0x2f: {  	lr =	sadd.s32 s0, s3;
	s0 =	sld [smem:$0x3FA8]  }
0x30: {  	s3 =	sld [smem:$0x3FAB]  }
0x31: {  	[smem:$0x3FB4] =	sst s10  }
0x32: {  	s10 =	sld [smem:$0x3FB2];
	_ =	sdelay $0x3  }
0x33: {  	p0 =	seq.s32 s10, $0x1;
	s10 =	sld [smem:$0x3FB4];
	_ =	sdelay $0x3  }
0x34: {  	[smem:$0x3FB4] =	sst s10  }
0x35: {  	s10 =	sld [smem:$0x3FB3];
	_ =	sdelay $0x3  }
0x36: {  	p1 =	seq.s32 s10, $0x1;
	s10 =	sld [smem:$0x3FB4];
	_ =	sdelay $0x3  }
0x37: {  	[smem:$0x3FB4] =	sst s10  }
0x38: {  	s10 =	sld [smem:$0x3FB5]  }
0x39: {  	_ = 	snop;
	(pc) =	sbr.ind lr, $3  }
0x3a: {  	_ = 	snop  }
0x3b: {  	_ = 	snop  }
0x3c: {  	p2 =	seq.s32 s10, $0x1;
	s10 =	sld [smem:$0x3FB4]  }
0x3d: {  	_ =	shalt  }
0x3e: {  	_ =	shalt  }
0x3f: {  	_ =	shalt  }
0x40: {  	_ =	shalt  }
0x41: {  	_ =	shalt  }
0x42: {  	_ =	shalt  }
0x43: {  	_ =	shalt  }
0x44: {  	_ =	shalt  }
0x45: {  	_ =	shalt  }
0x46: {  	_ =	shalt  }
0x47: {  	_ =	shalt  }
0x48: {  	_ =	shalt  }
0x49: {  	_ =	shalt  }
0x4a: {  	_ =	shalt  }
0x4b: {  	_ =	shalt  }
0x4c: {  	_ =	shalt  }
0x4d: {  	_ =	shalt  }
0x4e: {  	_ =	shalt  }
0x4f: {  	_ =	shalt  }
0x50: {  	_ =	shalt  }
0x51: {  	_ =	shalt  }
0x52: {  	_ =	shalt  }
0x53: {  	_ =	shalt  }
0x54: {  	_ =	shalt  }
0x55: {  	_ =	shalt  }
0x56: {  	_ =	shalt  }
0x57: {  	_ =	shalt  }
0x58: {  	_ =	shalt  }
0x59: {  	_ =	shalt  }
0x5a: {  	_ =	shalt  }
0x5b: {  	_ =	shalt  }
0x5c: {  	_ =	shalt  }
0x5d: {  	_ =	shalt  }
0x5e: {  	_ =	shalt  }
0x5f: {  	_ =	shalt  }
0x60: {  	_ =	shalt  }
0x61: {  	_ =	shalt  }
0x62: {  	_ =	shalt  }
0x63: {  	_ =	shalt  }
0x64: {  	_ =	shalt  }
0x65: {  	_ =	shalt  }
0x66: {  	_ =	shalt  }
0x67: {  	_ =	shalt  }
0x68: {  	_ =	shalt  }
0x69: {  	_ =	shalt  }
0x6a: {  	_ =	shalt  }
0x6b: {  	_ =	shalt  }
0x6c: {  	_ =	shalt  }
0x6d: {  	_ =	shalt  }
0x6e: {  	_ =	shalt  }
0x6f: {  	_ =	shalt  }
0x70: {  	_ =	shalt  }
0x71: {  	_ =	shalt  }
0x72: {  	_ =	shalt  }
0x73: {  	_ =	shalt  }
0x74: {  	_ =	shalt  }
0x75: {  	_ =	shalt  }
0x76: {  	_ =	shalt  }
0x77: {  	_ =	shalt  }
0x78: {  	_ =	shalt  }
0x79: {  	_ =	shalt  }
0x7a: {  	_ =	shalt  }
0x7b: {  	_ =	shalt  }
0x7c: {  	_ =	shalt  }
0x7d: {  	_ =	shalt  }
0x7e: {  	_ =	shalt  }
0x7f: {  	_ =	shalt  }
0x80: {  	_ =	shalt  }
0x81: {  	_ =	shalt  }
0x82: {  	_ =	shalt  }
0x83: {  	_ =	shalt  }
0x84: {  	_ =	shalt  }
0x85: {  	_ =	shalt  }
0x86: {  	_ =	shalt  }
0x87: {  	_ =	shalt  }
.Lfunc_end0:
.L_simem_size_0:
called_computation.2_lowered:
.L_overlay_start_0:
0x88: {  	s2 =	sld [smem:$0x3FD9]  }
0x89: {  	s3 =	sld [smem:$0x3FFE];
	_ =	sdelay $0x1  }
0x8a: {  	s1 =	srdreg.scid  }
0x8b: {  	s0 =	sand.u32 $0x1, s1  }
0x8c: {  	s16 =	sshll.u32 s0, $0xA;
	s2 =	sadd.s32 s3, s2  }
0x8d: {  	s2 =	sadd.s32 s2, s16  }
0x8e: {  	[smem:$0x3FC0] =	sst s2  }
0x8f: {  	_ = 	snop  }
0x90: {  	(tm) =	ssettm $0x1  }
0x91: {  	s17 =	sld [smem:$0x3FFB];
	_ =	sdelay $0x3  }
0x92: {  	_ =	strace s17  }
0x93: {  	s2 =	sld [smem:$0x3FFC];
	_ =	sdelay $0x3  }
0x94: {  	_ =	strace s2  }
0x95: {  	s2 =	sld [smem:$0x3FFD];
	_ =	sdelay $0x3  }
0x96: {  	_ =	strace s2  }
0x97: {  	_ =	strace $0x8FFFFFFF  }
0x98: {  	s18 =	sld [smem:$0x3FDB];
	_ =	sdelay $0x1  }
0x99: {  	s19 =	simm.s32 $_scs_section_size  }
0x9a: {  	s4 =	simm.s32 $_size__tile_overlayer_lowered;
	s5 =	simm.s32 $_tile_overlayer_lowered  }
0x9b: {  	s22 =	simm.s32 $0x1BFF;
	s21 =	sshll.u32 s5, $0x1;
	s2 =	sadd.s32 s19, s18  }
0x9c: {  	s6 =	simm.s32 $0x0;
	s20 =	sshll.u32 s4, $0x1;
	s4 =	sadd.s32 s21, s2  }
0x9d: {  	[timem:s6], [sflag:s22] =	dma.local [hbm:s4], s20  }
0x9e: {  	_ =	swait.ge [sflag:s22], s20  }
0x9f: {  	s3 =	ssub.s32 $0x0, s20;
	[sflag:s22] =	ssyncset.done $0x0  }
0xa0: {  	[sflag:s22] =	ssyncadd.s32 s3;
	_ =	sdelay $0x1  }
0xa1: {  	s23 =	simm.s32 $0x1B8B  }
0xa2: {  	_ =	swait.ge [sflag:s23], $0x1  }
0xa3: {  	[sflag:s23] =	ssyncset.done $0x0  }
0xa4: {  	s25 =	simm.s32 $0x1B8E;
	s24 =	sld [smem:$0x3FFE];
	[sflag:s23] =	ssyncadd.s32 $0xFFFFFFFF  }
0xa5: {  	s26 =	simm.s32 $execute0_lowered;
	[smem:$0x3FD2] =	sst s25  }
0xa6: {  	s4 =	sshll.u32 s26, $0x1;
	_ =	strace $0x8000004C;
	[dreg:$0x1] =	wrdreg $0xFFFFFFFF  }
0xa7: {  	s28 =	simm.s32 $_size_execute0_lowered;
	s2 =	sadd.s32 s2, s4;
	[dreg:$0x0] =	wrdreg $0x0  }
0xa8: {  	s4 =	sshll.u32 s28, $0x1;
	[dreg:$0x2] =	wrdreg s2  }
0xa9: {  	[dreg:$0x3] =	wrdreg s4  }
0xaa: {  	[dreg:$0x4] =	wrdreg $0xC0  }
0xab: {  	_ =	task [dreg:s6], $0x5FFFF  }
0xac: {  	[dreg:$0x1] =	wrdreg $0xFFFFFFFF  }
0xad: {  	[dreg:$0x0] =	wrdreg $0x60  }
0xae: {  	[dreg:$0x2] =	wrdreg s24  }
0xaf: {  	[dreg:$0x3] =	wrdreg $0xBF000  }
0xb0: {  	[dreg:$0x4] =	wrdreg $0x9  }
0xb1: {  	_ =	task.clear_ibuf [dreg:s6], $0x5FFFF;
	_ =	strace $0x9000004C  }
0xb2: {  	s29 =	simm.s32 $0x9;
	_ =	strace $0x8000004E  }
0xb3: {  	_ =	swait.ge [sflag:s29], $0x1  }
0xb4: {  	[sflag:s29] =	ssyncadd.s32 $0xFFFFFFFF  }
0xb5: {  	_ =	strace $0x9000004E  }
0xb6: {  	_ =	sfence  }
0xb7: {  	s30 =	sld [smem:$0x0];
	_ =	sdelay $0x2  }
0xb8: {  	s31 =	sshll.u32 s1, $0xD;
	s1 =	sshrl.u32 s1, $0x2  }
0xb9: {  	s3 =	sand.u32 $0x4000, s31;
	s1 =	sadd.s32 s1, s30  }
0xba: {  	s0 =	sor.u32 s3, s0;
	s1 =	sshll.u32 s1, $0x11  }
0xbb: {  	s0 =	sor.u32 s1, s0  }
0xbc: {  	s0 =	sadd.s32 $0x8F2B, s0  }
0xbd: {  	[sflag:s0] =	ssyncadd.remote.s32 $0x1  }
0xbe: {  	_ =	sfence.sel $0xFFFF  }
0xbf: {  	[dreg:$0x0] =	wrdreg $0xFFFFFFFF;
	(pc) =	sbr.abs _section_cstart, $3  }
0xc0: {  	[dreg:$0x1] =	wrdreg $0xFFFFFFFF  }
0xc1: {  	_ =	task.clear_ibuf [dreg:s6], $0x2FFFF;
	_ =	strace $0x9FFFFFFF  }
0xc2: {  	(tm) =	ssettm $0x7FFFFFFF  }
0xc3: {  	_ =	shalt  }
tec
execute0_lowered:
.L_overlay_start_1:
0x0: {  	(tag) =	ssettag $0x1  }
0x1: {  	s11 =	rddreg [dreg:$0x0]  }
0x2: {  	s1 =	rddreg [dreg:$0x1]  }
0x3: {  	s0 =	rddreg [dreg:$0x2];
	s3 =	simm.s32 $0x0  }
0x4: {  	s2 =	stileid.u32;
	s4 =	srdreg.scid;
	s16 =	simm.s32 $0xB4E00  }
0x5: {  	s18 =	simm.s32 $0x20;
	s20 =	simm.s32 $0x0;
	s5 =	smul.u32 $0x27800, s2  }
0x6: {  	[smem:$0x7FF] =	sst s3;
	s13 =	sadd.s32 $0xE800, s11;
	s7 =	smul.u32 $0x4E20, s2  }
0x7: {  	s12 =	sadd.s32 $0x4A00, s11;
	s6 =	sand.u32 $0x1, s4;
	s14 =	smul.u32 $0x9E00, s2  }
0x8: {  	s9 =	sadd.s32 $0xDC200, s11;
	s17 =	smul.u32 $0x9C4, s2;
	_ =	strace $0x8000004D  }
0x9: {  	s4 =	ssub.s32 $0x2, s6;
	s10 =	smul.u32 $0x9C400, s6;
	p0 =	seq.s32 s6, $0x1  }
0xa: {  	s8 =	sshrl.u32 s4, $0x1;
	s5 =	sshrl.u32 s5, $0x2;
	s7 =	sshrl.u32 s7, $0x3  }
0xb: {  	s19 =	sadd.s32 s14, s1;
	s16 =	simm.s32 @!p0 $0xC8800;
	p0 =	seq.s32 s2, $0xF  }
0xc: {  	s15 =	ssub.s32 s4, s8;
	s4 =	sadd.s32 s5, s1;
	s5 =	sadd.s32 $0x94200, s1  }
0xd: {  	s7 =	sadd.s32 $0x9C0, s7;
	s31 =	sadd.s32 s14, s10;
	s10 =	sshrl.u32 s10, $0x3  }
0xe: {  	s11 =	sadd.s32 s16, s11;
	s14 =	simm.s32 $0x2;
	s16 =	simm.s32 $0x100  }
0xf: {  	s19 =	sshrl.u32 @!p0 s19, $0x3;
	s6 =	sadd.s32 s13, s7;
	s8 =	sshrl.u32 s31, $0x3  }
0x10: {  	s7 =	sadd.s32 s12, s7;
	s12 =	sadd.s32 s17, s12;
	s13 =	sadd.s32 s17, s13  }
0x11: {  	s17 =	simm.s32 $0x1;
	s8 =	sadd.s32 s9, s8;
	s9 =	sadd.s32 s9, s10  }
0x12: {  	v0 =	vimm.f32 $0.0e+00;
	s10 =	smax.u32 s15, $0x1;
	s15 =	simm.s32 $0x80;
	s9 =	sadd.s32 $0x12840, s9  }
.LBB2_1:
0x13: {  	s22 =	simm.s32 $0x100;
	s21 =	simm.s32 $0x0  }
.LBB2_2:
0x14: {  	p1 =	sne.s32 s22, $0x27700;
	[tilespmem:s21+$0x2130] =	vst v0;
	s23 =	smov.u32 s22;
	s22 =	sadd.s32 $0x100, s22  }
.Ltmp0:
0x15: {  	[tilespmem:s21+$0x2120] =	vst v0;
	(pc) =	sbr.rel @p1 .LBB2_2-.Ltmp0, $3  }
0x16: {  	[tilespmem:s21+$0x2100] =	vst v0  }
0x17: {  	[tilespmem:s21+$0x2110] =	vst v0;
	_ =	sdelay $0x1  }
0x18: {  	s21 =	sshra.s32 s23, $0x2  }
0x19: {  	[tilespmem:s21+$0x2130] =	vst v0  }
0x1a: {  	[tilespmem:s21+$0x2120] =	vst v0  }
0x1b: {  	[tilespmem:s21+$0x2100] =	vst v0  }
0x1c: {  	[tilespmem:s21+$0x2110] =	vst v0;
	s21 =	simm.s32 @p0 $0x2100  }
0x1d: {  	[spmem:s5] =	stream.linear.scatter @p0 [tilespmem:s21], [sflag:$0x2], $0x8200, $0x38;
	[tilespmem:$0x15B40] =	vst v63  }
0x1e: {  	s21 =	simm.s32 @p0 $0x2  }
0x1f: {  	_ =	swait.ge @p0 [sflag:s21], $0x8200  }
0x20: {  	[sflag:s21] =	ssyncset.done @p0 $0x0  }
0x21: {  	[sflag:s21] =	ssyncadd.s32 @p0 $0xFFFF7E00;
	s21 =	simm.s32 @!p0 $0x2100  }
0x22: {  	[spmem:s4] =	stream.linear.scatter @!p0 [tilespmem:s21], [sflag:$0x2], $0x9E00, $0x38;
	[tilespmem:$0x15B40] =	vst v63  }
0x23: {  	s21 =	simm.s32 @!p0 $0x2  }
0x24: {  	_ =	swait.ge @!p0 [sflag:s21], $0x9E00  }
0x25: {  	[sflag:s21] =	ssyncset.done @!p0 $0x0  }
0x26: {  	[sflag:s21] =	ssyncadd.s32 @!p0 $0xFFFF6200  }
0x27: {  	s30 =	sadd.s32 $0x0, s13;
	[bflag:$0x0] =	sbarrier.arrive $0xFFFF  }
0x28: {  	[tilespmem:s3], [sflag:$0x2] =	stream.linear.gather [hbm4b:s30+s3], $0x80, $0x38;
	[tilespmem:$0x15B40] =	vst v63  }
0x29: {  	_ =	swait.ge [sflag:s14], $0x80  }
0x2a: {  	[sflag:s14] =	ssyncset.done $0x0  }
0x2b: {  	s31 =	sadd.s32 $0x0, s12;
	[sflag:s14] =	ssyncadd.s32 $0xFFFFFF80  }
0x2c: {  	[tilespmem:s15], [sflag:$0x2] =	stream.linear.gather [hbm4b:s31+s3], $0x80, $0x38;
	[tilespmem:$0x15B40] =	vst v63  }
0x2d: {  	_ =	swait.ge [sflag:s14], $0x80  }
0x2e: {  	[sflag:s14] =	ssyncset.done $0x0  }
0x2f: {  	[sflag:s14] =	ssyncadd.s32 $0xFFFFFF80  }
0x30: {  	[tilespmem:s16], [sflag:$0x1] =	stream.indirect.gather [hbm4b:s11+s15], $0x40, s3, s15, $0xb8;
	[tilespmem:$0x15B40] =	vst v63  }
0x31: {  	_ =	swait.ge [sflag:s17], $0x2000  }
0x32: {  	[sflag:s17] =	ssyncset.done $0x0  }
0x33: {  	[sflag:s17] =	ssyncadd.s32 $0xFFFFE000  }
0x34: {  	[spmem:s1] =	stream.indirect.scatter.add.f32 [tilespmem:s16], [sflag:$0x2], $0x40, s15, s15, $0xb8;
	[tilespmem:$0x15B40] =	vst v63  }
0x35: {  	_ =	swait.ge [sflag:s14], $0x2000  }
0x36: {  	s22 =	simm.s32 $0x20;
	s21 =	simm.s32 $0x10;
	[sflag:s14] =	ssyncset.done $0x0  }
.LBB2_4:
0x37: {  	s23 =	sadd.s32 s21, s13  }
0x38: {  	[sflag:s14] =	ssyncadd.s32 $0xFFFFE000;
	s24 =	smov.u32 s22;
	s25 =	sadd.s32 $0x10, s22  }
0x39: {  	[tilespmem:s3], [sflag:$0x2] =	stream.linear.gather [hbm4b:s23+s3], $0x80, $0x38;
	[tilespmem:$0x15B40] =	vst v63  }
0x3a: {  	p1 =	sne.s32 s22, $0x9B0;
	_ =	swait.ge [sflag:s14], $0x80  }
0x3b: {  	[sflag:s14] =	ssyncset.done $0x0  }
0x3c: {  	s22 =	sadd.s32 s21, s12;
	s21 =	smov.u32 s24;
	[sflag:s14] =	ssyncadd.s32 $0xFFFFFF80  }
0x3d: {  	[tilespmem:s15], [sflag:$0x2] =	stream.linear.gather [hbm4b:s22+s3], $0x80, $0x38;
	[tilespmem:$0x15B40] =	vst v63  }
0x3e: {  	_ =	swait.ge [sflag:s14], $0x80  }
0x3f: {  	[sflag:s14] =	ssyncset.done $0x0  }
0x40: {  	[sflag:s14] =	ssyncadd.s32 $0xFFFFFF80  }
0x41: {  	[tilespmem:s16], [sflag:$0x1] =	stream.indirect.gather [hbm4b:s11+s15], $0x40, s3, s15, $0xb8;
	[tilespmem:$0x15B40] =	vst v63  }
0x42: {  	_ =	swait.ge [sflag:s17], $0x2000  }
.Ltmp1:
0x43: {  	[sflag:s17] =	ssyncset.done $0x0;
	(pc) =	sbr.rel @p1 .LBB2_4-.Ltmp1, $4  }
0x44: {  	[sflag:s17] =	ssyncadd.s32 $0xFFFFE000  }
0x45: {  	[spmem:s1] =	stream.indirect.scatter.add.f32 [tilespmem:s16], [sflag:$0x2], $0x40, s15, s15, $0xb8;
	[tilespmem:$0x15B40] =	vst v63  }
0x46: {  	_ =	swait.ge [sflag:s14], $0x2000  }
0x47: {  	s22 =	smov.u32 s25;
	[sflag:s14] =	ssyncset.done $0x0  }
0x48: {  	s22 =	sadd.s32 s21, s13;
	[sflag:s14] =	ssyncadd.s32 $0xFFFFE000  }
0x49: {  	[tilespmem:s3], [sflag:$0x2] =	stream.linear.gather [hbm4b:s22+s3], $0x80, $0x38;
	[tilespmem:$0x15B40] =	vst v63  }
0x4a: {  	_ =	swait.ge [sflag:s14], $0x80  }
0x4b: {  	[sflag:s14] =	ssyncset.done $0x0  }
0x4c: {  	s31 =	sadd.s32 s21, s12;
	[sflag:s14] =	ssyncadd.s32 $0xFFFFFF80  }
0x4d: {  	[tilespmem:s15], [sflag:$0x2] =	stream.linear.gather [hbm4b:s31+s3], $0x80, $0x38;
	[tilespmem:$0x15B40] =	vst v63  }
0x4e: {  	_ =	swait.ge [sflag:s14], $0x80  }
0x4f: {  	[sflag:s14] =	ssyncset.done $0x0  }
0x50: {  	[sflag:s14] =	ssyncadd.s32 $0xFFFFFF80  }
0x51: {  	[tilespmem:s16], [sflag:$0x1] =	stream.indirect.gather [hbm4b:s11+s15], $0x40, s3, s15, $0xb8;
	[tilespmem:$0x15B40] =	vst v63  }
0x52: {  	_ =	swait.ge [sflag:s17], $0x2000  }
0x53: {  	[sflag:s17] =	ssyncset.done $0x0  }
0x54: {  	[sflag:s17] =	ssyncadd.s32 $0xFFFFE000  }
0x55: {  	[spmem:s1] =	stream.indirect.scatter.add.f32 [tilespmem:s16], [sflag:$0x2], $0x40, s15, s15, $0xb8;
	[tilespmem:$0x15B40] =	vst v63  }
0x56: {  	_ =	swait.ge [sflag:s14], $0x2000  }
0x57: {  	[sflag:s14] =	ssyncset.done $0x0  }
0x58: {  	[sflag:s14] =	ssyncadd.s32 $0xFFFFE000  }
0x59: {  	[tilespmem:s3], [sflag:$0x2] =	stream.linear.gather [hbm4b:s6+s3], $0x20, $0x38;
	[tilespmem:$0x15B40] =	vst v63  }
0x5a: {  	_ =	swait.ge [sflag:s14], $0x20  }
0x5b: {  	[sflag:s14] =	ssyncset.done $0x0  }
0x5c: {  	[sflag:s14] =	ssyncadd.s32 $0xFFFFFFE0  }
0x5d: {  	[tilespmem:s15], [sflag:$0x2] =	stream.linear.gather [hbm4b:s7+s3], $0x20, $0x38;
	[tilespmem:$0x15B40] =	vst v63  }
0x5e: {  	_ =	swait.ge [sflag:s14], $0x20  }
0x5f: {  	[sflag:s14] =	ssyncset.done $0x0  }
0x60: {  	[sflag:s14] =	ssyncadd.s32 $0xFFFFFFE0  }
0x61: {  	[tilespmem:s16], [sflag:$0x1] =	stream.indirect.gather [hbm4b:s11+s18], $0x40, s3, s18, $0xb8;
	[tilespmem:$0x15B40] =	vst v63  }
0x62: {  	_ =	swait.ge [sflag:s17], $0x800  }
0x63: {  	[sflag:s17] =	ssyncset.done $0x0  }
0x64: {  	[sflag:s17] =	ssyncadd.s32 $0xFFFFF800  }
0x65: {  	[spmem:s1] =	stream.indirect.scatter.add.f32 [tilespmem:s16], [sflag:$0x2], $0x40, s15, s18, $0xb8;
	[tilespmem:$0x15B40] =	vst v63  }
0x66: {  	_ =	swait.ge [sflag:s14], $0x800  }
0x67: {  	[sflag:s14] =	ssyncset.done $0x0  }
0x68: {  	[sflag:s14] =	ssyncadd.s32 $0xFFFFF800  }
0x69: {  	s21 =	sshrl.u32 @p0 s5, $0x3;
	s22 =	simm.s32 @p0 $0x1FC2;
	[bflag:$0x0] =	sbarrier.arrive $0xFFFF  }
0x6a: {  	[hbm:s9], [sflag:s22] =	dma.local @p0 [spmem:s21], $0x1040  }
0x6b: {  	s21 =	simm.s32 @p0 $0x2  }
0x6c: {  	_ =	swait.ge @p0 [sflag:s21], $0x1040  }
0x6d: {  	s20 =	sadd.s32 $0x1, s20;
	s22 =	sshll.u32 @!p0 s2, $0x6;
	[sflag:s21] =	ssyncset.done @p0 $0x0  }
0x6e: {  	p1 =	sne.s32 s20, s10;
	[sflag:s21] =	ssyncadd.s32 @p0 $0xFFFFEFC0;
	s21 =	sor.u32 @!p0 $0x1C02, s22  }
0x6f: {  	[hbm:s8], [sflag:s21] =	dma.local @!p0 [spmem:s19], $0x13C0  }
.Ltmp2:
0x70: {  	_ = 	snop;
	(pc) =	sbr.rel @p1 .LBB2_1-.Ltmp2, $4  }
0x71: {  	s21 =	simm.s32 @!p0 $0x2  }
0x72: {  	_ =	swait.ge @!p0 [sflag:s21], $0x13C0  }
0x73: {  	[sflag:s21] =	ssyncset.done @!p0 $0x0  }
0x74: {  	[sflag:s21] =	ssyncadd.s32 @!p0 $0xFFFFEC40  }
0x75: {  	_ =	sfence.sel $0x180000  }
0x76: {  	[bflag:$0x0] =	sbarrier.arrive $0xFFFF  }
0x77: {  	p0 =	sne.s32 s2, $0x0;
	_ =	strace $0x9000004D  }
0x78: {  	s0 =	sadd.s32 @!p0 $0x100000, s0;
	[bflag:$0x2] =	sbarrier.arrive $0xFFFF  }
0x79: {  	[sflag:s0] =	ssyncadd.tile.s32 @!p0 $0x1;
	_ =	shalt  }
.Lfunc_end2:
_tile_overlayer_lowered:
.L_overlay_start_2:
0x7a: {  	(tag) =	ssettag $0x2  }
0x7b: {  	s0 =	rddreg [dreg:$0x0];
	s2 =	stileid.u32  }
0x7c: {  	s1 =	rddreg [dreg:$0x1];
	p0 =	sne.s32 s2, $0x0  }
0x7d: {  	s3 =	rddreg [dreg:$0x2];
	[bflag:$0x3] =	sbarrier.arrive $0xFFFF;
	s2 =	simm.s32 @!p0 $0x1C02  }
0x7e: {  	[timem:s3], [sflag:s2] =	dma.local @!p0 [hbm:s0], s1  }
0x7f: {  	s0 =	simm.s32 @!p0 $0x2  }
0x80: {  	_ =	swait.ge @!p0 [sflag:s0], s1  }
0x81: {  	s1 =	ssub.s32 @!p0 $0x0, s1;
	[sflag:s0] =	ssyncset.done @!p0 $0x0  }
0x82: {  	[sflag:s0] =	ssyncadd.s32 @!p0 s1  }
0x83: {  	[bflag:$0x3] =	sbarrier.arrive $0xFFFF  }
0x84: {  	_ =	shalt  }

// kernel: kernel.9.cloned.1.call-start
scs
__scs_entry_jumppad:
0x0: {  	(pc) =	sbr.rel $0x88, $3  }
0x1: {  	(tag) =	ssettag $0x0;
	lr =	simm.s32 $0x1  }
0x2: {  	[smem:$0x3F99] =	sst lr;
	_ =	strace $0xD0000000  }
0x3: {  	_ = 	snop  }
0x4: {  	_ = 	snop  }
0x5: {  	_ = 	snop  }
0x6: {  	_ = 	snop  }
0x7: {  	_ = 	snop  }
__scs_overlays_trampoline_lowered:
0x8: {  	[smem:$0x3FA8] =	sst s0  }
0x9: {  	[smem:$0x3FA9] =	sst s1  }
0xa: {  	[smem:$0x3FAA] =	sst s2  }
0xb: {  	[smem:$0x3FAB] =	sst s3  }
0xc: {  	[smem:$0x3FAC] =	sst s4  }
0xd: {  	[smem:$0x3FAD] =	sst s5  }
0xe: {  	[smem:$0x3FAE] =	sst s6  }
0xf: {  	[smem:$0x3FAF] =	sst s7  }
0x10: {  	[smem:$0x3FB0] =	sst s8  }
0x11: {  	[smem:$0x3FB1] =	sst s9;
	s0 =	simm.s32 @!p0 $0x0  }
0x12: {  	s1 =	sld [smem:$0x3F97];
	s0 =	simm.s32 @p0 $0x1  }
0x13: {  	[smem:$0x3FB2] =	sst s0;
	s0 =	simm.s32 @!p1 $0x0  }
0x14: {  	s2 =	sld [smem:$0x3F96];
	s0 =	simm.s32 @p1 $0x1  }
0x15: {  	[smem:$0x3FB3] =	sst s0;
	s0 =	simm.s32 @!p2 $0x0  }
0x16: {  	s3 =	sld [smem:$0x3FDB];
	s0 =	simm.s32 @p2 $0x1  }
0x17: {  	s4 =	simm.s32 $0x1BF5;
	[smem:$0x3FB5] =	sst s0  }
0x18: {  	s0 =	sld [smem:$0x3F98];
	_ =	swait.ge [sflag:s4], $0x0  }
0x19: {  	s7 =	sld [smem:$0x3F99]  }
0x1a: {  	s8 =	sadd.s32 $0xFFFFE003, lr  }
0x1b: {  	s9 =	sadd.s32 $0xFFFFFEF7, lr;
	s5 =	simm.s32 $0xFFFFFFFF;
	p2 =	slt.u32 s8, $0xFFFFF086  }
0x1c: {  	p1 =	slt.u32 s9, $0xF7A;
	s5 =	simm.s32 @!p2 $0x0  }
0x1d: {  	s5 =	simm.s32 @p1 $0x1;
	p0 =	seq.s32 s7, s2  }
0x1e: {  	s7 =	smul.u32 @!p0 $0xF7A, s2;
	p2 =	seq.s32 @!p0 s5, $0x0  }
0x1f: {  	s9 =	smul.u32 $0xF7A, s1;
	s8 =	simm.s32 @!p0 $0x1BF5;
	p2 =	por !p2, p0  }
0x20: {  	[sflag:s8] =	ssyncset.s32 @!p0 $0xFFFFF086;
	s6 =	sadd.s32 @!p0 s3, s7;
	s7 =	simm.s32 @!p0 $0x108  }
0x21: {  	s3 =	sadd.s32 s3, s9;
	s6 =	sadd.s32 @!p0 $0x88, s6;
	s7 =	simm.s32 @p2 $0x1082  }
0x22: {  	[simem:s7], [sflag:s8] =	dma.local @!p0 [hbm:s6], $0xF7A  }
0x23: {  	s9 =	sor.u32 $0xD0000000, s2;
	s6 =	simm.s32 $0x108;
	_ =	swait.ge @!p0 [sflag:s8], $0x0  }
0x24: {  	s3 =	sadd.s32 $0x88, s3;
	s6 =	simm.s32 @!p1 $0x1082;
	[sflag:s4] =	ssyncset.s32 $0xFFFFF086  }
0x25: {  	[simem:s6], [sflag:s4] =	dma.local [hbm:s3], $0xF7A  }
0x26: {  	[smem:$0x3F99] =	sst s1;
	(tag) =	ssettag s2;
	_ =	strace s9  }
0x27: {  	s1 =	sld [smem:$0x3FA9]  }
0x28: {  	s2 =	sld [smem:$0x3FAA]  }
0x29: {  	s4 =	sld [smem:$0x3FAC]  }
0x2a: {  	p0 =	seq.s32 s5, $0x0;
	s5 =	sld [smem:$0x3FAD]  }
0x2b: {  	s6 =	sld [smem:$0x3FAE]  }
0x2c: {  	s7 =	sld [smem:$0x3FAF]  }
0x2d: {  	s3 =	simm.s32 $0x108;
	s8 =	sld [smem:$0x3FB0]  }
0x2e: {  	s3 =	simm.s32 @!p0 $0x1082;
	s9 =	sld [smem:$0x3FB1]  }
0x2f: {  	lr =	sadd.s32 s0, s3;
	s0 =	sld [smem:$0x3FA8]  }
0x30: {  	s3 =	sld [smem:$0x3FAB]  }
0x31: {  	[smem:$0x3FB4] =	sst s10  }
0x32: {  	s10 =	sld [smem:$0x3FB2];
	_ =	sdelay $0x3  }
0x33: {  	p0 =	seq.s32 s10, $0x1;
	s10 =	sld [smem:$0x3FB4];
	_ =	sdelay $0x3  }
0x34: {  	[smem:$0x3FB4] =	sst s10  }
0x35: {  	s10 =	sld [smem:$0x3FB3];
	_ =	sdelay $0x3  }
0x36: {  	p1 =	seq.s32 s10, $0x1;
	s10 =	sld [smem:$0x3FB4];
	_ =	sdelay $0x3  }
0x37: {  	[smem:$0x3FB4] =	sst s10  }
0x38: {  	s10 =	sld [smem:$0x3FB5]  }
0x39: {  	_ = 	snop;
	(pc) =	sbr.ind lr, $3  }
0x3a: {  	_ = 	snop  }
0x3b: {  	_ = 	snop  }
0x3c: {  	p2 =	seq.s32 s10, $0x1;
	s10 =	sld [smem:$0x3FB4]  }
0x3d: {  	_ =	shalt  }
0x3e: {  	_ =	shalt  }
0x3f: {  	_ =	shalt  }
0x40: {  	_ =	shalt  }
0x41: {  	_ =	shalt  }
0x42: {  	_ =	shalt  }
0x43: {  	_ =	shalt  }
0x44: {  	_ =	shalt  }
0x45: {  	_ =	shalt  }
0x46: {  	_ =	shalt  }
0x47: {  	_ =	shalt  }
0x48: {  	_ =	shalt  }
0x49: {  	_ =	shalt  }
0x4a: {  	_ =	shalt  }
0x4b: {  	_ =	shalt  }
0x4c: {  	_ =	shalt  }
0x4d: {  	_ =	shalt  }
0x4e: {  	_ =	shalt  }
0x4f: {  	_ =	shalt  }
0x50: {  	_ =	shalt  }
0x51: {  	_ =	shalt  }
0x52: {  	_ =	shalt  }
0x53: {  	_ =	shalt  }
0x54: {  	_ =	shalt  }
0x55: {  	_ =	shalt  }
0x56: {  	_ =	shalt  }
0x57: {  	_ =	shalt  }
0x58: {  	_ =	shalt  }
0x59: {  	_ =	shalt  }
0x5a: {  	_ =	shalt  }
0x5b: {  	_ =	shalt  }
0x5c: {  	_ =	shalt  }
0x5d: {  	_ =	shalt  }
0x5e: {  	_ =	shalt  }
0x5f: {  	_ =	shalt  }
0x60: {  	_ =	shalt  }
0x61: {  	_ =	shalt  }
0x62: {  	_ =	shalt  }
0x63: {  	_ =	shalt  }
0x64: {  	_ =	shalt  }
0x65: {  	_ =	shalt  }
0x66: {  	_ =	shalt  }
0x67: {  	_ =	shalt  }
0x68: {  	_ =	shalt  }
0x69: {  	_ =	shalt  }
0x6a: {  	_ =	shalt  }
0x6b: {  	_ =	shalt  }
0x6c: {  	_ =	shalt  }
0x6d: {  	_ =	shalt  }
0x6e: {  	_ =	shalt  }
0x6f: {  	_ =	shalt  }
0x70: {  	_ =	shalt  }
0x71: {  	_ =	shalt  }
0x72: {  	_ =	shalt  }
0x73: {  	_ =	shalt  }
0x74: {  	_ =	shalt  }
0x75: {  	_ =	shalt  }
0x76: {  	_ =	shalt  }
0x77: {  	_ =	shalt  }
0x78: {  	_ =	shalt  }
0x79: {  	_ =	shalt  }
0x7a: {  	_ =	shalt  }
0x7b: {  	_ =	shalt  }
0x7c: {  	_ =	shalt  }
0x7d: {  	_ =	shalt  }
0x7e: {  	_ =	shalt  }
0x7f: {  	_ =	shalt  }
0x80: {  	_ =	shalt  }
0x81: {  	_ =	shalt  }
0x82: {  	_ =	shalt  }
0x83: {  	_ =	shalt  }
0x84: {  	_ =	shalt  }
0x85: {  	_ =	shalt  }
0x86: {  	_ =	shalt  }
0x87: {  	_ =	shalt  }
.Lfunc_end0:
.L_simem_size_0:
called_computation_lowered:
.L_overlay_start_0:
0x88: {  	s2 =	sld [smem:$0x3FD9]  }
0x89: {  	s3 =	sld [smem:$0x3FFE];
	_ =	sdelay $0x1  }
0x8a: {  	s1 =	srdreg.scid  }
0x8b: {  	s0 =	sand.u32 $0x1, s1  }
0x8c: {  	s16 =	sshll.u32 s0, $0xA;
	s2 =	sadd.s32 s3, s2  }
0x8d: {  	s2 =	sadd.s32 s2, s16  }
0x8e: {  	[smem:$0x3FC0] =	sst s2  }
0x8f: {  	_ = 	snop  }
0x90: {  	(tm) =	ssettm $0x1  }
0x91: {  	s17 =	sld [smem:$0x3FFB];
	_ =	sdelay $0x3  }
0x92: {  	_ =	strace s17  }
0x93: {  	s2 =	sld [smem:$0x3FFC];
	_ =	sdelay $0x3  }
0x94: {  	_ =	strace s2  }
0x95: {  	s2 =	sld [smem:$0x3FFD];
	_ =	sdelay $0x3  }
0x96: {  	_ =	strace s2  }
0x97: {  	_ =	strace $0x8FFFFFFF  }
0x98: {  	s18 =	sld [smem:$0x3FDB];
	_ =	sdelay $0x1  }
0x99: {  	s19 =	simm.s32 $_scs_section_size  }
0x9a: {  	s4 =	simm.s32 $_size__tile_overlayer_lowered;
	s5 =	simm.s32 $_tile_overlayer_lowered  }
0x9b: {  	s22 =	simm.s32 $0x1BFF;
	s21 =	sshll.u32 s5, $0x1;
	s2 =	sadd.s32 s19, s18  }
0x9c: {  	s6 =	simm.s32 $0x0;
	s20 =	sshll.u32 s4, $0x1;
	s4 =	sadd.s32 s21, s2  }
0x9d: {  	[timem:s6], [sflag:s22] =	dma.local [hbm:s4], s20  }
0x9e: {  	_ =	swait.ge [sflag:s22], s20  }
0x9f: {  	s3 =	ssub.s32 $0x0, s20;
	[sflag:s22] =	ssyncset.done $0x0  }
0xa0: {  	[sflag:s22] =	ssyncadd.s32 s3;
	_ =	sdelay $0x1  }
0xa1: {  	s23 =	simm.s32 $0x1B8B  }
0xa2: {  	_ =	swait.ge [sflag:s23], $0x1  }
0xa3: {  	[sflag:s23] =	ssyncset.done $0x0  }
0xa4: {  	s25 =	simm.s32 $0x1B8E;
	s24 =	sld [smem:$0x3FFE];
	[sflag:s23] =	ssyncadd.s32 $0xFFFFFFFF  }
0xa5: {  	s26 =	simm.s32 $execute0_lowered;
	[smem:$0x3FD2] =	sst s25  }
0xa6: {  	s4 =	sshll.u32 s26, $0x1;
	_ =	strace $0x80000046;
	[dreg:$0x1] =	wrdreg $0xFFFFFFFF  }
0xa7: {  	s28 =	simm.s32 $_size_execute0_lowered;
	s2 =	sadd.s32 s2, s4;
	[dreg:$0x0] =	wrdreg $0x0  }
0xa8: {  	s4 =	sshll.u32 s28, $0x1;
	[dreg:$0x2] =	wrdreg s2  }
0xa9: {  	[dreg:$0x3] =	wrdreg s4  }
0xaa: {  	[dreg:$0x4] =	wrdreg $0xC0  }
0xab: {  	_ =	task [dreg:s6], $0x5FFFF  }
0xac: {  	[dreg:$0x1] =	wrdreg $0xFFFFFFFF  }
0xad: {  	[dreg:$0x0] =	wrdreg $0x60  }
0xae: {  	[dreg:$0x2] =	wrdreg s24  }
0xaf: {  	[dreg:$0x3] =	wrdreg $0xBF000  }
0xb0: {  	[dreg:$0x4] =	wrdreg $0x9  }
0xb1: {  	_ =	task.clear_ibuf [dreg:s6], $0x5FFFF;
	_ =	strace $0x90000046  }
0xb2: {  	s29 =	simm.s32 $0x9;
	_ =	strace $0x80000048  }
0xb3: {  	_ =	swait.ge [sflag:s29], $0x1  }
0xb4: {  	[sflag:s29] =	ssyncadd.s32 $0xFFFFFFFF  }
0xb5: {  	_ =	strace $0x90000048  }
0xb6: {  	_ =	sfence  }
0xb7: {  	s30 =	sld [smem:$0x0];
	_ =	sdelay $0x2  }
0xb8: {  	s31 =	sshll.u32 s1, $0xD;
	s1 =	sshrl.u32 s1, $0x2  }
0xb9: {  	s3 =	sand.u32 $0x4000, s31;
	s1 =	sadd.s32 s1, s30  }
0xba: {  	s0 =	sor.u32 s3, s0;
	s1 =	sshll.u32 s1, $0x11  }
0xbb: {  	s0 =	sor.u32 s1, s0  }
0xbc: {  	s0 =	sadd.s32 $0x8F2B, s0  }
0xbd: {  	[sflag:s0] =	ssyncadd.remote.s32 $0x1  }
0xbe: {  	_ =	sfence.sel $0xFFFF  }
0xbf: {  	[dreg:$0x0] =	wrdreg $0xFFFFFFFF;
	(pc) =	sbr.abs _section_cstart, $3  }
0xc0: {  	[dreg:$0x1] =	wrdreg $0xFFFFFFFF  }
0xc1: {  	_ =	task.clear_ibuf [dreg:s6], $0x2FFFF;
	_ =	strace $0x9FFFFFFF  }
0xc2: {  	(tm) =	ssettm $0x7FFFFFFF  }
0xc3: {  	_ =	shalt  }
tec
execute0_lowered:
.L_overlay_start_1:
0x0: {  	(tag) =	ssettag $0x1  }
0x1: {  	s12 =	rddreg [dreg:$0x0]  }
0x2: {  	s1 =	rddreg [dreg:$0x1]  }
0x3: {  	s2 =	srdreg.scid;
	s0 =	rddreg [dreg:$0x2]  }
0x4: {  	s3 =	simm.s32 $0x0;
	s18 =	simm.s32 $0x1;
	s19 =	simm.s32 $0x15B40  }
0x5: {  	s20 =	simm.s32 $0x20;
	s6 =	sand.u32 $0x1, s2;
	s2 =	stileid.u32  }
0x6: {  	s22 =	simm.s32 $0x0;
	[smem:$0x7FF] =	sst s3;
	s7 =	smul.u32 $0x27800, s2  }
0x7: {  	s14 =	sadd.s32 $0xE800, s12;
	s13 =	sadd.s32 $0x4A00, s12;
	s9 =	smul.u32 $0x4E20, s2  }
0x8: {  	s10 =	sadd.s32 $0x3FA00, s12;
	s4 =	sshll.u32 s6, $0x4;
	s16 =	smul.u32 $0x9C400, s6  }
0x9: {  	_ =	strace $0x80000047;
	s5 =	ssub.s32 $0x2, s6;
	s17 =	smul.u32 $0x9E00, s2  }
0xa: {  	s31 =	smul.u32 $0x9C4, s2;
	s4 =	sor.u32 s2, s4;
	s8 =	sshrl.u32 s5, $0x1  }
0xb: {  	p0 =	seq.s32 s6, $0x1;
	s4 =	smul.u32 $0x4E2, s4;
	s15 =	ssub.s32 s5, s8  }
0xc: {  	s26 =	sshrl.u32 s7, $0x2;
	s28 =	sshrl.u32 s9, $0x3;
	s5 =	sadd.s32 $0x94200, s1  }
0xd: {  	s29 =	sadd.s32 s17, s16;
	s21 =	sadd.s32 s17, s1;
	s30 =	sshrl.u32 s16, $0x3  }
0xe: {  	s16 =	simm.s32 $0x18600;
	s17 =	simm.s32 $0x100;
	s7 =	sadd.s32 $0x9C0, s28  }
0xf: {  	s9 =	sshrl.u32 s29, $0x3;
	s16 =	simm.s32 @!p0 $0x2C000;
	p0 =	seq.s32 s2, $0xF  }
0x10: {  	s11 =	sadd.s32 s4, s12;
	s4 =	sadd.s32 s26, s1;
	s6 =	sadd.s32 s14, s7  }
0x11: {  	s7 =	sadd.s32 s13, s7;
	s9 =	sadd.s32 s10, s9;
	s10 =	sadd.s32 s10, s30  }
0x12: {  	s12 =	sadd.s32 s16, s12;
	s13 =	sadd.s32 s31, s13;
	s14 =	sadd.s32 s31, s14  }
0x13: {  	s16 =	simm.s32 $0x80;
	s21 =	sshrl.u32 @!p0 s21, $0x3;
	s8 =	sadd.s32 $0x66C00, s11  }
0x14: {  	v0 =	vimm.f32 $0.0e+00;
	v1 =	vimm.f32 $1.000000000e+00;
	s10 =	sadd.s32 $0x12840, s10;
	s11 =	smax.u32 s15, $0x1;
	s15 =	simm.s32 $0x2  }
.LBB2_1:
0x15: {  	s24 =	simm.s32 $0x100;
	s23 =	simm.s32 $0x0  }
.LBB2_2:
0x16: {  	p1 =	sne.s32 s24, $0x27700;
	[tilespmem:s23+$0x2130] =	vst v0;
	s25 =	smov.u32 s24;
	s24 =	sadd.s32 $0x100, s24  }
.Ltmp0:
0x17: {  	[tilespmem:s23+$0x2120] =	vst v0;
	(pc) =	sbr.rel @p1 .LBB2_2-.Ltmp0, $3  }
0x18: {  	[tilespmem:s23+$0x2100] =	vst v0  }
0x19: {  	[tilespmem:s23+$0x2110] =	vst v0;
	_ =	sdelay $0x1  }
0x1a: {  	s23 =	sshra.s32 s25, $0x2  }
0x1b: {  	[tilespmem:s23+$0x2130] =	vst v0  }
0x1c: {  	[tilespmem:s23+$0x2120] =	vst v0  }
0x1d: {  	[tilespmem:s23+$0x2100] =	vst v0  }
0x1e: {  	[tilespmem:s23+$0x2110] =	vst v0;
	s23 =	simm.s32 @p0 $0x2100  }
0x1f: {  	[spmem:s5] =	stream.linear.scatter @p0 [tilespmem:s23], [sflag:$0x2], $0x8200, $0x38;
	[tilespmem:$0x18250] =	vst v63  }
0x20: {  	s23 =	simm.s32 @p0 $0x2  }
0x21: {  	_ =	swait.ge @p0 [sflag:s23], $0x8200  }
0x22: {  	[sflag:s23] =	ssyncset.done @p0 $0x0  }
0x23: {  	[sflag:s23] =	ssyncadd.s32 @p0 $0xFFFF7E00;
	s23 =	simm.s32 @!p0 $0x2100  }
0x24: {  	[spmem:s4] =	stream.linear.scatter @!p0 [tilespmem:s23], [sflag:$0x2], $0x9E00, $0x38;
	[tilespmem:$0x18250] =	vst v63  }
0x25: {  	s23 =	simm.s32 @!p0 $0x2  }
0x26: {  	_ =	swait.ge @!p0 [sflag:s23], $0x9E00  }
0x27: {  	[sflag:s23] =	ssyncset.done @!p0 $0x0  }
0x28: {  	s24 =	simm.s32 $0x0;
	[sflag:s23] =	ssyncadd.s32 @!p0 $0xFFFF6200;
	s23 =	simm.s32 $0x40  }
.LBB2_4:
0x29: {  	p1 =	sne.s32 s23, $0x9C00;
	[tilespmem:s24+$0x15B40] =	vst v0;
	s24 =	smov.u32 s23;
	s23 =	sadd.s32 $0x40, s23  }
.Ltmp1:
0x2a: {  	(pc) =	sbr.rel @p1 .LBB2_4-.Ltmp1, $2  }
0x2b: {  	_ =	sdelay $0x2  }
0x2c: {  	s24 =	sshra.s32 s24, $0x2  }
0x2d: {  	[tilespmem:s24+$0x15B40] =	vst v0  }
0x2e: {  	s23 =	simm.s32 $0x0;
	[bflag:$0x0] =	sbarrier.arrive $0xFFFF  }
.LBB2_6:
0x2f: {  	s24 =	sadd.s32 s23, s14  }
0x30: {  	[tilespmem:s3], [sflag:$0x2] =	stream.linear.gather [hbm4b:s24+s3], $0x80, $0x38;
	[tilespmem:$0x18250] =	vst v63  }
0x31: {  	_ =	swait.ge [sflag:s15], $0x80  }
0x32: {  	[sflag:s15] =	ssyncset.done $0x0  }
0x33: {  	s31 =	sadd.s32 s23, s13;
	[sflag:s15] =	ssyncadd.s32 $0xFFFFFF80  }
0x34: {  	[tilespmem:s16], [sflag:$0x2] =	stream.linear.gather [hbm4b:s31+s3], $0x80, $0x38;
	[tilespmem:$0x18250] =	vst v63  }
0x35: {  	_ =	swait.ge [sflag:s15], $0x80  }
0x36: {  	[sflag:s15] =	ssyncset.done $0x0  }
0x37: {  	[sflag:s15] =	ssyncadd.s32 $0xFFFFFF80  }
0x38: {  	[tilespmem:s17], [sflag:$0x1] =	stream.indirect.gather [hbm4b:s12+s16], $0x40, s3, s16, $0xb8;
	[tilespmem:$0x18250] =	vst v63  }
0x39: {  	_ =	swait.ge [sflag:s18], $0x2000  }
0x3a: {  	[sflag:s18] =	ssyncset.done $0x0  }
0x3b: {  	[sflag:s18] =	ssyncadd.s32 $0xFFFFE000  }
0x3c: {  	[spmem:s1] =	stream.indirect.scatter.add.f32 [tilespmem:s17], [sflag:$0x2], $0x40, s16, s16, $0xb8;
	[tilespmem:$0x18250] =	vst v63  }
0x3d: {  	_ =	swait.ge [sflag:s15], $0x2000  }
0x3e: {  	[sflag:s15] =	ssyncset.done $0x0  }
0x3f: {  	[sflag:s15] =	ssyncadd.s32 $0xFFFFE000  }
0x40: {  	v2 =	vld [tilespmem:$0x80];
	_ =	sdelay $0x7  }
0x41: {  	[tilespmem:v2+s19+$0x0] =	vst.idx.add.f32.msk $0xffff, v1  }
0x42: {  	v2 =	vld [tilespmem:$0x90];
	_ =	sdelay $0x7  }
0x43: {  	[tilespmem:v2+s19+$0x0] =	vst.idx.add.f32.msk $0xffff, v1  }
0x44: {  	v2 =	vld [tilespmem:$0xA0];
	_ =	sdelay $0x7  }
0x45: {  	[tilespmem:v2+s19+$0x0] =	vst.idx.add.f32.msk $0xffff, v1  }
0x46: {  	v2 =	vld [tilespmem:$0xB0];
	_ =	sdelay $0x7  }
0x47: {  	[tilespmem:v2+s19+$0x0] =	vst.idx.add.f32.msk $0xffff, v1  }
0x48: {  	v2 =	vld [tilespmem:$0xC0];
	_ =	sdelay $0x7  }
0x49: {  	[tilespmem:v2+s19+$0x0] =	vst.idx.add.f32.msk $0xffff, v1  }
0x4a: {  	v2 =	vld [tilespmem:$0xD0];
	_ =	sdelay $0x7  }
0x4b: {  	[tilespmem:v2+s19+$0x0] =	vst.idx.add.f32.msk $0xffff, v1  }
0x4c: {  	v2 =	vld [tilespmem:$0xE0];
	_ =	sdelay $0x7  }
0x4d: {  	[tilespmem:v2+s19+$0x0] =	vst.idx.add.f32.msk $0xffff, v1  }
0x4e: {  	v2 =	vld [tilespmem:$0xF0];
	_ =	sdelay $0x2  }
0x4f: {  	p1 =	sne.s32 s23, $0x9B0  }
.Ltmp2:
0x50: {  	_ = 	snop;
	(pc) =	sbr.rel @p1 .LBB2_6-.Ltmp2, $2  }
0x51: {  	_ =	sdelay $0x2  }
0x52: {  	s23 =	sadd.s32 $0x10, s23;
	[tilespmem:v2+s19+$0x0] =	vst.idx.add.f32.msk $0xffff, v1  }
0x53: {  	[tilespmem:s3], [sflag:$0x2] =	stream.linear.gather [hbm4b:s6+s3], $0x20, $0x38;
	[tilespmem:$0x18250] =	vst v63  }
0x54: {  	_ =	swait.ge [sflag:s15], $0x20  }
0x55: {  	[sflag:s15] =	ssyncset.done $0x0  }
0x56: {  	[sflag:s15] =	ssyncadd.s32 $0xFFFFFFE0  }
0x57: {  	[tilespmem:s16], [sflag:$0x2] =	stream.linear.gather [hbm4b:s7+s3], $0x20, $0x38;
	[tilespmem:$0x18250] =	vst v63  }
0x58: {  	_ =	swait.ge [sflag:s15], $0x20  }
0x59: {  	[sflag:s15] =	ssyncset.done $0x0  }
0x5a: {  	[sflag:s15] =	ssyncadd.s32 $0xFFFFFFE0  }
0x5b: {  	[tilespmem:s17], [sflag:$0x1] =	stream.indirect.gather [hbm4b:s12+s20], $0x40, s3, s20, $0xb8;
	[tilespmem:$0x18250] =	vst v63  }
0x5c: {  	_ =	swait.ge [sflag:s18], $0x800  }
0x5d: {  	[sflag:s18] =	ssyncset.done $0x0  }
0x5e: {  	[sflag:s18] =	ssyncadd.s32 $0xFFFFF800  }
0x5f: {  	[spmem:s1] =	stream.indirect.scatter.add.f32 [tilespmem:s17], [sflag:$0x2], $0x40, s16, s20, $0xb8;
	[tilespmem:$0x18250] =	vst v63  }
0x60: {  	_ =	swait.ge [sflag:s15], $0x800  }
0x61: {  	[sflag:s15] =	ssyncset.done $0x0  }
0x62: {  	[sflag:s15] =	ssyncadd.s32 $0xFFFFF800  }
0x63: {  	v2 =	vld [tilespmem:$0x80];
	_ =	sdelay $0x7  }
0x64: {  	[tilespmem:v2+s19+$0x0] =	vst.idx.add.f32.msk $0xffff, v1  }
0x65: {  	v2 =	vld [tilespmem:$0x90];
	_ =	sdelay $0x7  }
0x66: {  	[tilespmem:v2+s19+$0x0] =	vst.idx.add.f32.msk $0xffff, v1  }
0x67: {  	[hbm4b:s8+s3] =	stream.linear.scatter [tilespmem:s19], [sflag:$0x2], $0x2710, $0x38;
	[tilespmem:$0x18250] =	vst v63  }
0x68: {  	_ =	swait.ge [sflag:s15], $0x2710  }
0x69: {  	[sflag:s15] =	ssyncset.done $0x0  }
0x6a: {  	[sflag:s15] =	ssyncadd.s32 $0xFFFFD8F0  }
0x6b: {  	s23 =	sshrl.u32 @p0 s5, $0x3;
	s24 =	simm.s32 @p0 $0x1FC2;
	[bflag:$0x0] =	sbarrier.arrive $0xFFFF  }
0x6c: {  	[hbm:s10], [sflag:s24] =	dma.local @p0 [spmem:s23], $0x1040  }
0x6d: {  	s23 =	simm.s32 @p0 $0x2  }
0x6e: {  	_ =	swait.ge @p0 [sflag:s23], $0x1040  }
0x6f: {  	s22 =	sadd.s32 $0x1, s22;
	s24 =	sshll.u32 @!p0 s2, $0x6;
	[sflag:s23] =	ssyncset.done @p0 $0x0  }
0x70: {  	p1 =	sne.s32 s22, s11;
	[sflag:s23] =	ssyncadd.s32 @p0 $0xFFFFEFC0;
	s23 =	sor.u32 @!p0 $0x1C02, s24  }
0x71: {  	[hbm:s9], [sflag:s23] =	dma.local @!p0 [spmem:s21], $0x13C0  }
.Ltmp3:
0x72: {  	_ = 	snop;
	(pc) =	sbr.rel @p1 .LBB2_1-.Ltmp3, $4  }
0x73: {  	s23 =	simm.s32 @!p0 $0x2  }
0x74: {  	_ =	swait.ge @!p0 [sflag:s23], $0x13C0  }
0x75: {  	[sflag:s23] =	ssyncset.done @!p0 $0x0  }
0x76: {  	[sflag:s23] =	ssyncadd.s32 @!p0 $0xFFFFEC40  }
0x77: {  	_ =	sfence.sel $0x180000  }
0x78: {  	[bflag:$0x0] =	sbarrier.arrive $0xFFFF  }
0x79: {  	p0 =	sne.s32 s2, $0x0;
	_ =	strace $0x90000047  }
0x7a: {  	s0 =	sadd.s32 @!p0 $0x100000, s0;
	[bflag:$0x2] =	sbarrier.arrive $0xFFFF  }
0x7b: {  	[sflag:s0] =	ssyncadd.tile.s32 @!p0 $0x1;
	_ =	shalt  }
.Lfunc_end2:
_tile_overlayer_lowered:
.L_overlay_start_2:
0x7c: {  	(tag) =	ssettag $0x2  }
0x7d: {  	s0 =	rddreg [dreg:$0x0];
	s2 =	stileid.u32  }
0x7e: {  	s1 =	rddreg [dreg:$0x1];
	p0 =	sne.s32 s2, $0x0  }
0x7f: {  	s3 =	rddreg [dreg:$0x2];
	[bflag:$0x3] =	sbarrier.arrive $0xFFFF;
	s2 =	simm.s32 @!p0 $0x1C02  }
0x80: {  	[timem:s3], [sflag:s2] =	dma.local @!p0 [hbm:s0], s1  }
0x81: {  	s0 =	simm.s32 @!p0 $0x2  }
0x82: {  	_ =	swait.ge @!p0 [sflag:s0], s1  }
0x83: {  	s1 =	ssub.s32 @!p0 $0x0, s1;
	[sflag:s0] =	ssyncset.done @!p0 $0x0  }
0x84: {  	[sflag:s0] =	ssyncadd.s32 @!p0 s1  }
0x85: {  	[bflag:$0x3] =	sbarrier.arrive $0xFFFF  }
0x86: {  	_ =	shalt  }

</sc_bundles>
